<compile_context>
chip_gen: v7x
topology: tpu7x:2x2x1
jax: 0.10.2.dev20260603
libtpu: 0.0.44.dev20260713+nightly
codegen_flags: <defaults>
</compile_context>

<pallas_src>
import functools

import jax
import jax.numpy as jnp
from jax import lax
from jax.experimental import pallas as pl
from jax.experimental.pallas import tpu as pltpu
from jax.experimental.pallas import tpu_sc as plsc

KNB = 32
NEG = float("-inf")


def _bf(x):
    return x.astype(jnp.bfloat16).astype(jnp.float32)


def _bf_bits(x):
    u = lax.bitcast_convert_type(x, jnp.uint32)
    r = (u + jnp.uint32(0x7FFF) + ((u >> 16) & jnp.uint32(1))) \
        & jnp.uint32(0xFFFF0000)
    return lax.bitcast_convert_type(r, jnp.float32)



def _knn_body(pts_ref, ptsT_ref, idx_ref, d_ref, *, n, rows):
    pr = pts_ref[...]
    pt = ptsT_ref[0]
    mm = jnp.dot(pr, pt, preferred_element_type=jnp.float32)
    inner = -2.0 * mm
    xx_r = jnp.sum(pr * pr, axis=1, keepdims=True)
    xx_c = jnp.sum(pt * pt, axis=0, keepdims=True)
    d_ref[...] = ((-xx_r) - inner) - xx_c
    cidx = lax.broadcasted_iota(jnp.int32, (rows, n), 1)
    boff = pl.program_id(0) * n
    sels = []
    for _ in range(KNB):
        d = d_ref[...]
        m = jnp.max(d, axis=1, keepdims=True)
        cand = jnp.where(d == m, cidx, n)
        sel = jnp.min(cand, axis=1, keepdims=True)
        sels.append(sel)
        d_ref[...] = jnp.where(cidx == sel, NEG, d)
    idx_ref[...] = jnp.concatenate(sels, axis=1) + boff


def _knn_call(pts8, ptsT8):
    P = pts8.shape[0]
    B, _, n = ptsT8.shape
    rows = 32
    nblk = (P // B) // rows
    body = functools.partial(_knn_body, n=n, rows=rows)
    return pl.pallas_call(
        body,
        grid=(B, nblk),
        in_specs=[
            pl.BlockSpec((rows, 8), lambda b, r: (b * nblk + r, 0)),
            pl.BlockSpec((1, 8, n), lambda b, r: (b, 0, 0)),
        ],
        out_specs=pl.BlockSpec((rows, KNB), lambda b, r: (b * nblk + r, 0)),
        out_shape=jax.ShapeDtypeStruct((P, KNB), jnp.int32),
        scratch_shapes=[pltpu.VMEM((rows, n), jnp.float32)],
    )(pts8, ptsT8)



def _sc_gather_rows(table, idxf):
    E = idxf.shape[0]
    P, C = table.shape
    NC, NS = 2, 16
    NW = NC * NS
    CHUNK = E // NW
    NR = CHUNK // 128
    mesh = plsc.VectorSubcoreMesh(core_axis_name="c", subcore_axis_name="s")

    @functools.partial(
        pl.kernel, mesh=mesh,
        out_type=jax.ShapeDtypeStruct((E, C), jnp.float32),
        compiler_params=pltpu.CompilerParams(use_tc_tiling_on_sc=False),
        scratch_types=[
            pltpu.VMEM((128,), jnp.int32),
            pltpu.VMEM((128, C), jnp.float32),
            pltpu.SemaphoreType.DMA,
        ],
    )
    def kfn(tab_hbm, idx_hbm, out_hbm, idx_v, rows_v, sem):
        wid = lax.axis_index("s") * NC + lax.axis_index("c")
        base = wid * CHUNK

        def round_fn(g, carry):
            off = base + g * 128
            pltpu.sync_copy(idx_hbm.at[pl.ds(off, 128)], idx_v)
            pltpu.async_copy(tab_hbm.at[idx_v], rows_v, sem).wait()
            pltpu.sync_copy(rows_v, out_hbm.at[pl.ds(off, 128)])
            return carry

        lax.fori_loop(0, NR, round_fn, 0)

    return kfn(table, idxf)



def _feat_body(ev_ref, geom_ref):
    l3 = jnp.maximum(ev_ref[:, 0:1], 1e-8)
    l2 = jnp.maximum(ev_ref[:, 1:2], 1e-8)
    l1 = jnp.maximum(ev_ref[:, 2:3], 1e-8)
    s = l1 + l2 + l3
    geom_ref[...] = jnp.concatenate([
        (l1 - l2) / l1,
        (l2 - l3) / l1,
        l3 / l1,
        l3 / s,
        (l1 - l3) / l1,
        jnp.zeros_like(l1), jnp.zeros_like(l1), jnp.zeros_like(l1)], axis=1)


def _feat_call(ev8):
    P = ev8.shape[0]
    R = 512
    return pl.pallas_call(
        _feat_body,
        grid=(P // R,),
        in_specs=[pl.BlockSpec((R, 8), lambda i: (i, 0))],
        out_specs=pl.BlockSpec((R, 8), lambda i: (i, 0)),
        out_shape=jax.ShapeDtypeStruct((P, 8), jnp.float32),
    )(ev8)



def _lrelu(x):
    return jnp.where(x >= 0.0, x, 0.2 * x)


def _s1_body(g_ref, w_ref, h_ref, p_ref):
    h = jnp.dot(_bf(g_ref[...]), w_ref[...],
                preferred_element_type=jnp.float32)
    h_ref[...] = h

    @pl.when(pl.program_id(0) == 0)
    def _():
        p_ref[...] = jnp.zeros_like(p_ref)

    p_ref[0:1, :] += jnp.sum(h, axis=0, keepdims=True)
    p_ref[1:2, :] += jnp.sum(h * h, axis=0, keepdims=True)


def _s1_call(geom8, w):
    P = geom8.shape[0]
    R = 512
    return pl.pallas_call(
        _s1_body,
        grid=(P // R,),
        in_specs=[
            pl.BlockSpec((R, 8), lambda i: (i, 0)),
            pl.BlockSpec((8, 16), lambda i: (0, 0)),
        ],
        out_specs=[
            pl.BlockSpec((R, 16), lambda i: (i, 0)),
            pl.BlockSpec((8, 16), lambda i: (0, 0)),
        ],
        out_shape=[
            jax.ShapeDtypeStruct((P, 16), jnp.float32),
            jax.ShapeDtypeStruct((8, 16), jnp.float32),
        ],
    )(geom8, w)


def _x9_body(f_ref, hp_ref, prm_ref, x9_ref):
    wsal = prm_ref[4:5, :]
    bsal = prm_ref[5:6, 0:1]
    h = _bn_lrelu(hp_ref[...], prm_ref)
    salp = jnp.sum(_bf(h) * wsal, axis=1, keepdims=True) + bsal
    sal = 1.0 / (1.0 + jnp.exp(-salp))
    f8 = f_ref[...]
    rows = f8.shape[0]
    x9_ref[...] = jnp.concatenate(
        [f8, sal, jnp.zeros((rows, 7), jnp.float32)], axis=1)


def _x9_call(feat8, hpre, prm):
    P = feat8.shape[0]
    R = 512
    return pl.pallas_call(
        _x9_body,
        grid=(P // R,),
        in_specs=[
            pl.BlockSpec((R, 8), lambda i: (i, 0)),
            pl.BlockSpec((R, 16), lambda i: (i, 0)),
            pl.BlockSpec((8, 16), lambda i: (0, 0)),
        ],
        out_specs=pl.BlockSpec((R, 16), lambda i: (i, 0)),
        out_shape=jax.ShapeDtypeStruct((P, 16), jnp.float32),
    )(feat8, hpre, prm)


def _edge_body(nb_ref, x_ref, w_ref, mx_ref, mn_ref, p_ref, *, cin):
    R = mx_ref.shape[0]
    nb3 = nb_ref[...].reshape(R, KNB, cin)
    ctr = x_ref[...].reshape(R, 1, cin)
    diffb = _bf(nb3 - ctr)
    ctrb = _bf(jnp.broadcast_to(ctr, (R, KNB, cin)))
    ef = jnp.concatenate([diffb, ctrb], axis=2).reshape(R * KNB, 2 * cin)
    e = jnp.dot(ef, w_ref[...], preferred_element_type=jnp.float32)
    e3 = e.reshape(R, KNB, 64)
    mx_ref[...] = jnp.max(e3, axis=1)
    mn_ref[...] = jnp.min(e3, axis=1)

    @pl.when(pl.program_id(0) == 0)
    def _():
        p_ref[...] = jnp.zeros_like(p_ref)

    p_ref[0:1, :] += jnp.sum(e, axis=0, keepdims=True)
    p_ref[1:2, :] += jnp.sum(e * e, axis=0, keepdims=True)


def _edge_call(nbx, xfeat, we):
    E, cin = nbx.shape
    P = E // KNB
    R = 128
    body = functools.partial(_edge_body, cin=cin)
    o = jax.ShapeDtypeStruct((P, 64), jnp.float32)
    return pl.pallas_call(
        body,
        grid=(P // R,),
        in_specs=[
            pl.BlockSpec((R * KNB, cin), lambda i: (i, 0)),
            pl.BlockSpec((R, cin), lambda i: (i, 0)),
            pl.BlockSpec((2 * cin, 64), lambda i: (0, 0)),
        ],
        out_specs=[
            pl.BlockSpec((R, 64), lambda i: (i, 0)),
            pl.BlockSpec((R, 64), lambda i: (i, 0)),
            pl.BlockSpec((8, 64), lambda i: (0, 0)),
        ],
        out_shape=[o, o, jax.ShapeDtypeStruct((8, 64), jnp.float32)],
    )(nbx, xfeat, we)


def _apply_body(mx_ref, mn_ref, prm_ref, x_ref):
    fa = _bn_lrelu(mx_ref[...], prm_ref)
    fb = _bn_lrelu(mn_ref[...], prm_ref)
    x_ref[...] = jnp.maximum(fa, fb)


def _apply_call(mx, mn, prm):
    P, D = mx.shape
    R = 512
    return pl.pallas_call(
        _apply_body,
        grid=(P // R,),
        in_specs=[
            pl.BlockSpec((R, D), lambda i: (i, 0)),
            pl.BlockSpec((R, D), lambda i: (i, 0)),
            pl.BlockSpec((8, D), lambda i: (0, 0)),
        ],
        out_specs=pl.BlockSpec((R, D), lambda i: (i, 0)),
        out_shape=jax.ShapeDtypeStruct((P, D), jnp.float32),
    )(mx, mn, prm)


def _head_body(x1_ref, mx_ref, mn_ref, prm_ref, wc_ref, h_ref, p_ref):
    fa = _bn_lrelu(mx_ref[...], prm_ref)
    fb = _bn_lrelu(mn_ref[...], prm_ref)
    x2 = jnp.maximum(fa, fb)
    g = _bf(jnp.concatenate([x1_ref[...], x2], axis=1))
    h = jnp.dot(g, wc_ref[...], preferred_element_type=jnp.float32)
    h_ref[...] = h

    @pl.when(pl.program_id(0) == 0)
    def _():
        p_ref[...] = jnp.zeros_like(p_ref)

    p_ref[0:1, :] += jnp.sum(h, axis=0, keepdims=True)
    p_ref[1:2, :] += jnp.sum(h * h, axis=0, keepdims=True)


def _head_call(x1, mx2, mn2, prm, wc):
    P = x1.shape[0]
    R = 512
    return pl.pallas_call(
        _head_body,
        grid=(P // R,),
        in_specs=[
            pl.BlockSpec((R, 64), lambda i: (i, 0)),
            pl.BlockSpec((R, 64), lambda i: (i, 0)),
            pl.BlockSpec((R, 64), lambda i: (i, 0)),
            pl.BlockSpec((8, 64), lambda i: (0, 0)),
            pl.BlockSpec((128, 256), lambda i: (0, 0)),
        ],
        out_specs=[
            pl.BlockSpec((R, 256), lambda i: (i, 0)),
            pl.BlockSpec((8, 256), lambda i: (0, 0)),
        ],
        out_shape=[
            jax.ShapeDtypeStruct((P, 256), jnp.float32),
            jax.ShapeDtypeStruct((8, 256), jnp.float32),
        ],
    )(x1, mx2, mn2, prm, wc)


def _logits_body(h_ref, prm_ref, w_ref, b_ref, o_ref):
    hc = _bf(_bn_lrelu(h_ref[...], prm_ref))
    o_ref[...] = (jnp.dot(hc, w_ref[...], preferred_element_type=jnp.float32)
                  + b_ref[0:1, :])


def _logits_call(hcp, prm, w, brow):
    P = hcp.shape[0]
    R = 512
    return pl.pallas_call(
        _logits_body,
        grid=(P // R,),
        in_specs=[
            pl.BlockSpec((R, 256), lambda i: (i, 0)),
            pl.BlockSpec((8, 256), lambda i: (0, 0)),
            pl.BlockSpec((256, 8), lambda i: (0, 0)),
            pl.BlockSpec((8, 8), lambda i: (0, 0)),
        ],
        out_specs=pl.BlockSpec((R, 8), lambda i: (i, 0)),
        out_shape=jax.ShapeDtypeStruct((P, 8), jnp.float32),
    )(hcp, prm, w, brow)



def _bn_prm(part, cnt, gamma, beta):
    d = gamma.shape[0]
    mean = part[0] / cnt
    var = part[1] / cnt - mean * mean
    s = jnp.sqrt(var + 1e-5)
    return jnp.concatenate(
        [mean.reshape(1, d), s.reshape(1, d), gamma.reshape(1, d),
         beta.reshape(1, d), jnp.zeros((4, d), jnp.float32)], axis=0)


def _bn_lrelu(x, prm_ref):
    xn = (x - prm_ref[0:1, :]) / prm_ref[1:2, :]
    return _lrelu(xn * prm_ref[2:3, :] + prm_ref[3:4, :])


def kernel(points, W_s1, g_s1, b_s1, W_s2, bias_s2, W1, g1, b1, W2, g2, b2,
           Wc1, gc1, bc1, Wc2, bias_c):
    B, _, N = points.shape
    P = B * N
    f32 = jnp.float32

    pts_row = points.transpose(0, 2, 1).reshape(P, 3)
    pts8 = jnp.concatenate([pts_row, jnp.zeros((P, 5), f32)], axis=1)
    ptsT8 = jnp.concatenate([points, jnp.zeros((B, 5, N), f32)], axis=1)
    pts16 = jnp.concatenate([pts_row, jnp.zeros((P, 13), f32)], axis=1)

    idx1 = _knn_call(pts8, ptsT8)
    idxf1 = idx1.reshape(P * KNB)

    nbp = _sc_gather_rows(pts16, idxf1)
    nb = nbp.reshape(B, N, KNB, 16)[:, :, :, :3]
    centered = nb - jnp.mean(nb, axis=2, keepdims=True)
    cov = jnp.einsum('bnki,bnkj->bnij', centered, centered) / KNB
    cov = cov + 1e-8 * jnp.eye(3, dtype=cov.dtype)
    ev = jnp.linalg.eigvalsh(cov).reshape(P, 3)
    ev8 = jnp.concatenate([ev, jnp.zeros((P, 5), f32)], axis=1)
    geom8 = _feat_call(ev8)

    w_s1tp = _bf_bits(jnp.concatenate([W_s1.T, jnp.zeros((3, 16), f32)],
                                      axis=0))
    hpre, part_s1 = _s1_call(geom8, w_s1tp)
    prm_s1 = _bn_prm(part_s1, float(P), g_s1, b_s1)
    prm_x9 = jnp.concatenate([
        prm_s1[:4], _bf_bits(W_s2).reshape(1, 16),
        jnp.full((1, 16), bias_s2[0], f32), jnp.zeros((2, 16), f32)], axis=0)
    feat8 = jnp.concatenate([pts_row, geom8[:, :5]], axis=1)
    x9 = _x9_call(feat8, hpre, prm_x9)

    w1b = _bf_bits(W1)
    w1e = jnp.zeros((32, 64), f32)
    w1e = w1e.at[0:9, :].set(w1b[:, 0:9].T)
    w1e = w1e.at[16:25, :].set(w1b[:, 9:18].T)
    nbx1 = _sc_gather_rows(x9, idxf1)
    mx1, mn1, part_e1 = _edge_call(nbx1, x9, w1e)
    x1 = _apply_call(mx1, mn1, _bn_prm(part_e1, float(P * KNB), g1, b1))

    x13 = x1[:, :3]
    pts8b = jnp.concatenate([x13, jnp.zeros((P, 5), f32)], axis=1)
    ptsT8b = jnp.concatenate(
        [x13.reshape(B, N, 3).transpose(0, 2, 1), jnp.zeros((B, 5, N), f32)],
        axis=1)
    idx2 = _knn_call(pts8b, ptsT8b)
    idxf2 = idx2.reshape(P * KNB)

    w2b = _bf_bits(W2)
    w2e = jnp.concatenate([w2b[:, :64].T, w2b[:, 64:].T], axis=0)
    nbx2 = _sc_gather_rows(x1, idxf2)
    mx2, mn2, part_e2 = _edge_call(nbx2, x1, w2e)

    hcp, part_c = _head_call(x1, mx2, mn2,
                             _bn_prm(part_e2, float(P * KNB), g2, b2),
                             _bf_bits(Wc1.T))

    wc2tp = _bf_bits(jnp.concatenate([Wc2.T, jnp.zeros((256, 6), f32)],
                                     axis=1))
    brow = jnp.zeros((8, 8), f32).at[0, :2].set(bias_c)
    out8 = _logits_call(hcp, _bn_prm(part_c, float(P), gc1, bc1),
                        wc2tp, brow)

    return out8[:, :2].reshape(B, N, 2).transpose(0, 2, 1)

# --- scband reference (transcript-rebuilt; emitter-appended) ---
"""Pipeline reference for scband-wound-segmentation-gnn-10883447128135 (READ-ONLY COPY).

The authoritative reference and input builder live on the scoring server;
editing this copy changes nothing except your own understanding.
"""

import jax, jax.numpy as jnp
import numpy as np

K = 32

def knn(x, k):
    # x: [B, C, N] -> idx [B, N, k] of nearest neighbors (incl. self)
    inner = -2.0 * jnp.einsum('bcn,bcm->bnm', x, x)
    xx = jnp.sum(x * x, axis=1)
    dist = -xx[:, :, None] - inner - xx[:, None, :]
    return jax.lax.top_k(dist, k)[1]

def gather_neighbors(x_t, idx):
    # x_t: [B, N, C], idx: [B, N, k] -> [B, N, k, C]
    return jax.vmap(lambda xt, i: xt[i])(x_t, idx)

def compute_differential_geometry(points, k):
    # points: [B, 3, N] -> 5 eigen-feature channels [B, 5, N]
    idx = knn(points, k)
    pts_t = jnp.transpose(points, (0, 2, 1))
    nb = gather_neighbors(pts_t, idx)
    centered = nb - jnp.mean(nb, axis=2, keepdims=True)
    cov = jnp.einsum('bnki,bnkj->bnij', centered, centered) / k
    cov = cov + 1e-8 * jnp.eye(3, dtype=cov.dtype)
    ev = jnp.linalg.eigvalsh(cov)  # ascending
    l3 = jnp.maximum(ev[..., 0], 1e-8)
    l2 = jnp.maximum(ev[..., 1], 1e-8)
    l1 = jnp.maximum(ev[..., 2], 1e-8)
    s = l1 + l2 + l3
    lin = (l1 - l2) / l1
    pla = (l2 - l3) / l1
    sph = l3 / l1
    cur = l3 / s
    ani = (l1 - l3) / l1
    return jnp.stack([lin, pla, sph, cur, ani], axis=1)

def get_graph_feature(x, k):
    B, C, N = x.shape
    idx = knn(x[:, :3, :], k)
    x_t = jnp.transpose(x, (0, 2, 1))
    nb = gather_neighbors(x_t, idx)
    center = jnp.broadcast_to(x_t[:, :, None, :], (B, N, k, C))
    feats = jnp.concatenate([nb - center, center], axis=3)
    return jnp.transpose(feats, (0, 3, 1, 2))  # [B, 2C, N, k]

def bn(x, gamma, beta, axes):
    m = jnp.mean(x, axis=axes, keepdims=True)
    v = jnp.var(x, axis=axes, keepdims=True)
    xn = (x - m) / jnp.sqrt(v + 1e-5)
    shape = [1] * x.ndim
    shape[1] = -1
    return xn * gamma.reshape(shape) + beta.reshape(shape)

def lrelu(x):
    return jnp.where(x >= 0, x, 0.2 * x)

def conv1d(x, W):
    return jnp.einsum('oc,bcn->bon', W, x)

def conv2d(x, W):
    return jnp.einsum('oc,bcnk->bonk', W, x)

def setup_inputs(seed: int = 0):
    key = jax.random.key(seed)
    ks = jax.random.split(key, 8)
    B, N = 4, 2048
    return {
        'points': jax.random.normal(ks[0], (B, 3, N), dtype=jnp.float32),
        'W_s1': jax.random.normal(ks[1], (16, 5), dtype=jnp.float32) * 0.3,
        'g_s1': jnp.ones((16,), jnp.float32),
        'b_s1': jnp.zeros((16,), jnp.float32),
        'W_s2': jax.random.normal(ks[2], (1, 16), dtype=jnp.float32) * 0.3,
        'bias_s2': jnp.zeros((1,), jnp.float32),
        'W1': jax.random.normal(ks[3], (64, 18), dtype=jnp.float32) * 0.2,
        'g1': jnp.ones((64,), jnp.float32),
        'b1': jnp.zeros((64,), jnp.float32),
        'W2': jax.random.normal(ks[4], (64, 128), dtype=jnp.float32) * 0.1,
        'g2': jnp.ones((64,), jnp.float32),
        'b2': jnp.zeros((64,), jnp.float32),
        'Wc1': jax.random.normal(ks[5], (256, 128), dtype=jnp.float32) * 0.1,
        'gc1': jnp.ones((256,), jnp.float32),
        'bc1': jnp.zeros((256,), jnp.float32),
        'Wc2': jax.random.normal(ks[6], (2, 256), dtype=jnp.float32) * 0.1,
        'bias_c': jnp.zeros((2,), jnp.float32),
    }

def reference(points, W_s1, g_s1, b_s1, W_s2, bias_s2, W1, g1, b1, W2, g2, b2, Wc1, gc1, bc1, Wc2, bias_c):
    geom = compute_differential_geometry(points, K)
    h = lrelu(bn(conv1d(geom, W_s1), g_s1, b_s1, (0, 2)))
    sal = jax.nn.sigmoid(conv1d(h, W_s2) + bias_s2.reshape(1, -1, 1))
    x = jnp.concatenate([points, geom, sal], axis=1)  # [B, 9, N]
    gf1 = get_graph_feature(x, K)                     # [B, 18, N, k]
    x1 = jnp.max(lrelu(bn(conv2d(gf1, W1), g1, b1, (0, 2, 3))), axis=-1)
    gf2 = get_graph_feature(x1, K)                    # [B, 128, N, k]
    x2 = jnp.max(lrelu(bn(conv2d(gf2, W2), g2, b2, (0, 2, 3))), axis=-1)
    gfeat = jnp.concatenate([x1, x2], axis=1)         # [B, 128, N]
    hc = lrelu(bn(conv1d(gfeat, Wc1), gc1, bc1, (0, 2)))
    logits = conv1d(hc, Wc2) + bias_c.reshape(1, -1, 1)
    return logits

if __name__ == "__main__":
    import jax
    _d = setup_inputs()
    print(jax.jit(kernel)(*tuple(_d.values())))

</pallas_src>

<mosaic_0001>
#map = affine_map<(d0, d1) -> (0, 0)>
#map1 = affine_map<(d0, d1) -> (0)>
module attributes {stable_mosaic.version = 14 : i64} {
  func.func @kfn(%arg0: i32, %arg1: i32, %arg2: memref<8192x16xf32, #tpu.memory_space<hbm>>, %arg3: memref<262144xi32, #tpu.memory_space<hbm>>, %arg4: memref<262144x16xf32, #tpu.memory_space<hbm>>, %arg5: memref<128xi32, #tpu.memory_space<vmem>>, %arg6: memref<128x16xf32, #tpu.memory_space<vmem>>, %arg7: memref<!tpu.dma_semaphore, #tpu.memory_space<semaphore_mem>>) attributes {dimension_semantics = [#tpu.dimension_semantics<core_parallel>, #tpu.dimension_semantics<subcore_parallel>], iteration_bounds = array<i64: 2, 16>, scalar_prefetch = 0 : i64, scratch_operands = 3 : i64, tpu.core_type = #tpu.core_type<sc_vector_subcore>, window_params = [{transform_indices = #map}, {transform_indices = #map1}, {transform_indices = #map}]} {
    %mul3A = arith.constant 2 : i32
    %mul3A_0 = arith.muli %arg1, %mul3A : i32
    %add3A = arith.addi %mul3A_0, %arg0 : i32
    %mul3A_1 = arith.constant 8192 : i32
    %mul3A_2 = arith.muli %add3A, %mul3A_1 : i32
    %scan3A = arith.constant 0 : i32
    %scan3A_3 = arith.constant 0 : i32
    %scan3A_4 = arith.constant 64 : i32
    %scan3A_5 = arith.addi %scan3A_3, %scan3A_4 : i32
    %scan3A_6 = arith.constant 1 : i32
    scf.for %scan3A_8 = %scan3A_3 to %scan3A_5 step %scan3A_6  : i32 {
      %mul3A_9 = arith.constant 128 : i32
      %mul3A_10 = arith.muli %scan3A_8, %mul3A_9 : i32
      %add3A_11 = arith.addi %mul3A_2, %mul3A_10 : i32
      "tpu.region"() ({
        %run_scoped3A = tpu.sem_alloc : memref<!tpu.dma_semaphore, #tpu.memory_space<semaphore_mem>>
        %dma_start3A_16 = tpu.memref_slice %arg3[%add3A_11] : memref<262144xi32, #tpu.memory_space<hbm>> -> memref<128xi32, #tpu.memory_space<hbm>>
        %dma_start3A_17 = tpu.memref_slice %arg3[%add3A_11] : memref<262144xi32, #tpu.memory_space<hbm>> -> memref<128xi32, #tpu.memory_space<hbm>>
        tpu.enqueue_dma source(%dma_start3A_17 : memref<128xi32, #tpu.memory_space<hbm>>) target(%arg5 : memref<128xi32, #tpu.memory_space<vmem>>) target_semaphore(%run_scoped3A : memref<!tpu.dma_semaphore, #tpu.memory_space<semaphore_mem>>)
        %dma_wait3A_18 = tpu.memref_slice %arg3[%add3A_11] : memref<262144xi32, #tpu.memory_space<hbm>> -> memref<128xi32, #tpu.memory_space<hbm>>
        %dma_wait3A_19 = tpu.memref_slice %arg3[%add3A_11] : memref<262144xi32, #tpu.memory_space<hbm>> -> memref<128xi32, #tpu.memory_space<hbm>>
        tpu.wait_dma2 semaphore(%run_scoped3A : memref<!tpu.dma_semaphore, #tpu.memory_space<semaphore_mem>>) src(%dma_wait3A_19 : memref<128xi32, #tpu.memory_space<hbm>>) dst(%arg5 : memref<128xi32, #tpu.memory_space<vmem>>)
        tpu.yield
      }) : () -> ()
      %dma_start3A = arith.constant 0 : i32
      %dma_start3A_12 = arith.constant 0 : i32
      %dma_start3A_13 = tpu.memref_slice %arg2[%dma_start3A, %dma_start3A_12] : memref<8192x16xf32, #tpu.memory_space<hbm>> -> memref<8192x16xf32, #tpu.memory_space<hbm>>
      tpu.enqueue_indirect_dma source(%dma_start3A_13 : memref<8192x16xf32, #tpu.memory_space<hbm>>) target(%arg6 : memref<128x16xf32, #tpu.memory_space<vmem>>) offsets(%arg5 : memref<128xi32, #tpu.memory_space<vmem>>) semaphore(%arg7 : memref<!tpu.dma_semaphore, #tpu.memory_space<semaphore_mem>>)
      %dma_wait3A = arith.constant 0 : i32
      %dma_wait3A_14 = arith.constant 0 : i32
      %dma_wait3A_15 = tpu.memref_slice %arg2[%dma_wait3A, %dma_wait3A_14] : memref<8192x16xf32, #tpu.memory_space<hbm>> -> memref<8192x16xf32, #tpu.memory_space<hbm>>
      tpu.wait_indirect_dma semaphore(%arg7 : memref<!tpu.dma_semaphore, #tpu.memory_space<semaphore_mem>>) src(%dma_wait3A_15 : memref<8192x16xf32, #tpu.memory_space<hbm>>) dst(%arg6 : memref<128x16xf32, #tpu.memory_space<vmem>>)
      "tpu.region"() ({
        %run_scoped3A = tpu.sem_alloc : memref<!tpu.dma_semaphore, #tpu.memory_space<semaphore_mem>>
        %dma_start3A_16 = arith.constant 0 : i32
        %dma_start3A_17 = tpu.memref_slice %arg4[%add3A_11, %dma_start3A_16] : memref<262144x16xf32, #tpu.memory_space<hbm>> -> memref<128x16xf32, #tpu.memory_space<hbm>>
        %dma_start3A_18 = arith.constant 0 : i32
        %dma_start3A_19 = tpu.memref_slice %arg4[%add3A_11, %dma_start3A_18] : memref<262144x16xf32, #tpu.memory_space<hbm>> -> memref<128x16xf32, #tpu.memory_space<hbm>>
        tpu.enqueue_dma source(%arg6 : memref<128x16xf32, #tpu.memory_space<vmem>>) target(%dma_start3A_19 : memref<128x16xf32, #tpu.memory_space<hbm>>) target_semaphore(%run_scoped3A : memref<!tpu.dma_semaphore, #tpu.memory_space<semaphore_mem>>)
        %dma_wait3A_20 = arith.constant 0 : i32
        %dma_wait3A_21 = tpu.memref_slice %arg4[%add3A_11, %dma_wait3A_20] : memref<262144x16xf32, #tpu.memory_space<hbm>> -> memref<128x16xf32, #tpu.memory_space<hbm>>
        %dma_wait3A_22 = arith.constant 0 : i32
        %dma_wait3A_23 = tpu.memref_slice %arg4[%add3A_11, %dma_wait3A_22] : memref<262144x16xf32, #tpu.memory_space<hbm>> -> memref<128x16xf32, #tpu.memory_space<hbm>>
        tpu.wait_dma2 semaphore(%run_scoped3A : memref<!tpu.dma_semaphore, #tpu.memory_space<semaphore_mem>>) src(%arg6 : memref<128x16xf32, #tpu.memory_space<vmem>>) dst(%dma_wait3A_23 : memref<128x16xf32, #tpu.memory_space<hbm>>)
        tpu.yield
      }) : () -> ()
    }
    %scan3A_7 = arith.constant 64 : i32
    return
  }
}

#map = affine_map<(d0, d1) -> (0, 0)>
#map1 = affine_map<(d0, d1) -> (0)>
module attributes {stable_mosaic.version = 14 : i64} {
  func.func @kfn(%arg0: i32, %arg1: i32, %arg2: memref<8192x16xf32, #tpu.memory_space<hbm>>, %arg3: memref<262144xi32, #tpu.memory_space<hbm>>, %arg4: memref<262144x16xf32, #tpu.memory_space<hbm>>, %arg5: memref<128xi32, #tpu.memory_space<vmem>>, %arg6: memref<128x16xf32, #tpu.memory_space<vmem>>, %arg7: memref<!tpu.dma_semaphore, #tpu.memory_space<semaphore_mem>>) attributes {dimension_semantics = [#tpu.dimension_semantics<core_parallel>, #tpu.dimension_semantics<subcore_parallel>], iteration_bounds = array<i64: 2, 16>, scalar_prefetch = 0 : i64, scratch_operands = 3 : i64, tpu.core_type = #tpu.core_type<sc_vector_subcore>, window_params = [{transform_indices = #map}, {transform_indices = #map1}, {transform_indices = #map}]} {
    %mul3A = arith.constant 2 : i32
    %mul3A_0 = arith.muli %arg1, %mul3A : i32
    %add3A = arith.addi %mul3A_0, %arg0 : i32
    %mul3A_1 = arith.constant 8192 : i32
    %mul3A_2 = arith.muli %add3A, %mul3A_1 : i32
    %scan3A = arith.constant 0 : i32
    %scan3A_3 = arith.constant 0 : i32
    %scan3A_4 = arith.constant 64 : i32
    %scan3A_5 = arith.addi %scan3A_3, %scan3A_4 : i32
    %scan3A_6 = arith.constant 1 : i32
    scf.for %scan3A_8 = %scan3A_3 to %scan3A_5 step %scan3A_6  : i32 {
      %mul3A_9 = arith.constant 128 : i32
      %mul3A_10 = arith.muli %scan3A_8, %mul3A_9 : i32
      %add3A_11 = arith.addi %mul3A_2, %mul3A_10 : i32
      "tpu.region"() ({
        %run_scoped3A = tpu.sem_alloc : memref<!tpu.dma_semaphore, #tpu.memory_space<semaphore_mem>>
        %dma_start3A_16 = tpu.memref_slice %arg3[%add3A_11] : memref<262144xi32, #tpu.memory_space<hbm>> -> memref<128xi32, #tpu.memory_space<hbm>>
        %dma_start3A_17 = tpu.memref_slice %arg3[%add3A_11] : memref<262144xi32, #tpu.memory_space<hbm>> -> memref<128xi32, #tpu.memory_space<hbm>>
        tpu.enqueue_dma source(%dma_start3A_17 : memref<128xi32, #tpu.memory_space<hbm>>) target(%arg5 : memref<128xi32, #tpu.memory_space<vmem>>) target_semaphore(%run_scoped3A : memref<!tpu.dma_semaphore, #tpu.memory_space<semaphore_mem>>)
        %dma_wait3A_18 = tpu.memref_slice %arg3[%add3A_11] : memref<262144xi32, #tpu.memory_space<hbm>> -> memref<128xi32, #tpu.memory_space<hbm>>
        %dma_wait3A_19 = tpu.memref_slice %arg3[%add3A_11] : memref<262144xi32, #tpu.memory_space<hbm>> -> memref<128xi32, #tpu.memory_space<hbm>>
        tpu.wait_dma2 semaphore(%run_scoped3A : memref<!tpu.dma_semaphore, #tpu.memory_space<semaphore_mem>>) src(%dma_wait3A_19 : memref<128xi32, #tpu.memory_space<hbm>>) dst(%arg5 : memref<128xi32, #tpu.memory_space<vmem>>)
        tpu.yield
      }) : () -> ()
      %dma_start3A = arith.constant 0 : i32
      %dma_start3A_12 = arith.constant 0 : i32
      %dma_start3A_13 = tpu.memref_slice %arg2[%dma_start3A, %dma_start3A_12] : memref<8192x16xf32, #tpu.memory_space<hbm>> -> memref<8192x16xf32, #tpu.memory_space<hbm>>
      tpu.enqueue_indirect_dma source(%dma_start3A_13 : memref<8192x16xf32, #tpu.memory_space<hbm>>) target(%arg6 : memref<128x16xf32, #tpu.memory_space<vmem>>) offsets(%arg5 : memref<128xi32, #tpu.memory_space<vmem>>) semaphore(%arg7 : memref<!tpu.dma_semaphore, #tpu.memory_space<semaphore_mem>>)
      %dma_wait3A = arith.constant 0 : i32
      %dma_wait3A_14 = arith.constant 0 : i32
      %dma_wait3A_15 = tpu.memref_slice %arg2[%dma_wait3A, %dma_wait3A_14] : memref<8192x16xf32, #tpu.memory_space<hbm>> -> memref<8192x16xf32, #tpu.memory_space<hbm>>
      tpu.wait_indirect_dma semaphore(%arg7 : memref<!tpu.dma_semaphore, #tpu.memory_space<semaphore_mem>>) src(%dma_wait3A_15 : memref<8192x16xf32, #tpu.memory_space<hbm>>) dst(%arg6 : memref<128x16xf32, #tpu.memory_space<vmem>>)
      "tpu.region"() ({
        %run_scoped3A = tpu.sem_alloc : memref<!tpu.dma_semaphore, #tpu.memory_space<semaphore_mem>>
        %dma_start3A_16 = arith.constant 0 : i32
        %dma_start3A_17 = tpu.memref_slice %arg4[%add3A_11, %dma_start3A_16] : memref<262144x16xf32, #tpu.memory_space<hbm>> -> memref<128x16xf32, #tpu.memory_space<hbm>>
        %dma_start3A_18 = arith.constant 0 : i32
        %dma_start3A_19 = tpu.memref_slice %arg4[%add3A_11, %dma_start3A_18] : memref<262144x16xf32, #tpu.memory_space<hbm>> -> memref<128x16xf32, #tpu.memory_space<hbm>>
        tpu.enqueue_dma source(%arg6 : memref<128x16xf32, #tpu.memory_space<vmem>>) target(%dma_start3A_19 : memref<128x16xf32, #tpu.memory_space<hbm>>) target_semaphore(%run_scoped3A : memref<!tpu.dma_semaphore, #tpu.memory_space<semaphore_mem>>)
        %dma_wait3A_20 = arith.constant 0 : i32
        %dma_wait3A_21 = tpu.memref_slice %arg4[%add3A_11, %dma_wait3A_20] : memref<262144x16xf32, #tpu.memory_space<hbm>> -> memref<128x16xf32, #tpu.memory_space<hbm>>
        %dma_wait3A_22 = arith.constant 0 : i32
        %dma_wait3A_23 = tpu.memref_slice %arg4[%add3A_11, %dma_wait3A_22] : memref<262144x16xf32, #tpu.memory_space<hbm>> -> memref<128x16xf32, #tpu.memory_space<hbm>>
        tpu.wait_dma2 semaphore(%run_scoped3A : memref<!tpu.dma_semaphore, #tpu.memory_space<semaphore_mem>>) src(%arg6 : memref<128x16xf32, #tpu.memory_space<vmem>>) dst(%dma_wait3A_23 : memref<128x16xf32, #tpu.memory_space<hbm>>)
        tpu.yield
      }) : () -> ()
    }
    %scan3A_7 = arith.constant 64 : i32
    return
  }
}

#map = affine_map<(d0, d1) -> (0, 0)>
#map1 = affine_map<(d0, d1) -> (0)>
module attributes {stable_mosaic.version = 14 : i64} {
  func.func @kfn(%arg0: i32, %arg1: i32, %arg2: memref<8192x64xf32, #tpu.memory_space<hbm>>, %arg3: memref<262144xi32, #tpu.memory_space<hbm>>, %arg4: memref<262144x64xf32, #tpu.memory_space<hbm>>, %arg5: memref<128xi32, #tpu.memory_space<vmem>>, %arg6: memref<128x64xf32, #tpu.memory_space<vmem>>, %arg7: memref<!tpu.dma_semaphore, #tpu.memory_space<semaphore_mem>>) attributes {dimension_semantics = [#tpu.dimension_semantics<core_parallel>, #tpu.dimension_semantics<subcore_parallel>], iteration_bounds = array<i64: 2, 16>, scalar_prefetch = 0 : i64, scratch_operands = 3 : i64, tpu.core_type = #tpu.core_type<sc_vector_subcore>, window_params = [{transform_indices = #map}, {transform_indices = #map1}, {transform_indices = #map}]} {
    %mul3A = arith.constant 2 : i32
    %mul3A_0 = arith.muli %arg1, %mul3A : i32
    %add3A = arith.addi %mul3A_0, %arg0 : i32
    %mul3A_1 = arith.constant 8192 : i32
    %mul3A_2 = arith.muli %add3A, %mul3A_1 : i32
    %scan3A = arith.constant 0 : i32
    %scan3A_3 = arith.constant 0 : i32
    %scan3A_4 = arith.constant 64 : i32
    %scan3A_5 = arith.addi %scan3A_3, %scan3A_4 : i32
    %scan3A_6 = arith.constant 1 : i32
    scf.for %scan3A_8 = %scan3A_3 to %scan3A_5 step %scan3A_6  : i32 {
      %mul3A_9 = arith.constant 128 : i32
      %mul3A_10 = arith.muli %scan3A_8, %mul3A_9 : i32
      %add3A_11 = arith.addi %mul3A_2, %mul3A_10 : i32
      "tpu.region"() ({
        %run_scoped3A = tpu.sem_alloc : memref<!tpu.dma_semaphore, #tpu.memory_space<semaphore_mem>>
        %dma_start3A_16 = tpu.memref_slice %arg3[%add3A_11] : memref<262144xi32, #tpu.memory_space<hbm>> -> memref<128xi32, #tpu.memory_space<hbm>>
        %dma_start3A_17 = tpu.memref_slice %arg3[%add3A_11] : memref<262144xi32, #tpu.memory_space<hbm>> -> memref<128xi32, #tpu.memory_space<hbm>>
        tpu.enqueue_dma source(%dma_start3A_17 : memref<128xi32, #tpu.memory_space<hbm>>) target(%arg5 : memref<128xi32, #tpu.memory_space<vmem>>) target_semaphore(%run_scoped3A : memref<!tpu.dma_semaphore, #tpu.memory_space<semaphore_mem>>)
        %dma_wait3A_18 = tpu.memref_slice %arg3[%add3A_11] : memref<262144xi32, #tpu.memory_space<hbm>> -> memref<128xi32, #tpu.memory_space<hbm>>
        %dma_wait3A_19 = tpu.memref_slice %arg3[%add3A_11] : memref<262144xi32, #tpu.memory_space<hbm>> -> memref<128xi32, #tpu.memory_space<hbm>>
        tpu.wait_dma2 semaphore(%run_scoped3A : memref<!tpu.dma_semaphore, #tpu.memory_space<semaphore_mem>>) src(%dma_wait3A_19 : memref<128xi32, #tpu.memory_space<hbm>>) dst(%arg5 : memref<128xi32, #tpu.memory_space<vmem>>)
        tpu.yield
      }) : () -> ()
      %dma_start3A = arith.constant 0 : i32
      %dma_start3A_12 = arith.constant 0 : i32
      %dma_start3A_13 = tpu.memref_slice %arg2[%dma_start3A, %dma_start3A_12] : memref<8192x64xf32, #tpu.memory_space<hbm>> -> memref<8192x64xf32, #tpu.memory_space<hbm>>
      tpu.enqueue_indirect_dma source(%dma_start3A_13 : memref<8192x64xf32, #tpu.memory_space<hbm>>) target(%arg6 : memref<128x64xf32, #tpu.memory_space<vmem>>) offsets(%arg5 : memref<128xi32, #tpu.memory_space<vmem>>) semaphore(%arg7 : memref<!tpu.dma_semaphore, #tpu.memory_space<semaphore_mem>>)
      %dma_wait3A = arith.constant 0 : i32
      %dma_wait3A_14 = arith.constant 0 : i32
      %dma_wait3A_15 = tpu.memref_slice %arg2[%dma_wait3A, %dma_wait3A_14] : memref<8192x64xf32, #tpu.memory_space<hbm>> -> memref<8192x64xf32, #tpu.memory_space<hbm>>
      tpu.wait_indirect_dma semaphore(%arg7 : memref<!tpu.dma_semaphore, #tpu.memory_space<semaphore_mem>>) src(%dma_wait3A_15 : memref<8192x64xf32, #tpu.memory_space<hbm>>) dst(%arg6 : memref<128x64xf32, #tpu.memory_space<vmem>>)
      "tpu.region"() ({
        %run_scoped3A = tpu.sem_alloc : memref<!tpu.dma_semaphore, #tpu.memory_space<semaphore_mem>>
        %dma_start3A_16 = arith.constant 0 : i32
        %dma_start3A_17 = tpu.memref_slice %arg4[%add3A_11, %dma_start3A_16] : memref<262144x64xf32, #tpu.memory_space<hbm>> -> memref<128x64xf32, #tpu.memory_space<hbm>>
        %dma_start3A_18 = arith.constant 0 : i32
        %dma_start3A_19 = tpu.memref_slice %arg4[%add3A_11, %dma_start3A_18] : memref<262144x64xf32, #tpu.memory_space<hbm>> -> memref<128x64xf32, #tpu.memory_space<hbm>>
        tpu.enqueue_dma source(%arg6 : memref<128x64xf32, #tpu.memory_space<vmem>>) target(%dma_start3A_19 : memref<128x64xf32, #tpu.memory_space<hbm>>) target_semaphore(%run_scoped3A : memref<!tpu.dma_semaphore, #tpu.memory_space<semaphore_mem>>)
        %dma_wait3A_20 = arith.constant 0 : i32
        %dma_wait3A_21 = tpu.memref_slice %arg4[%add3A_11, %dma_wait3A_20] : memref<262144x64xf32, #tpu.memory_space<hbm>> -> memref<128x64xf32, #tpu.memory_space<hbm>>
        %dma_wait3A_22 = arith.constant 0 : i32
        %dma_wait3A_23 = tpu.memref_slice %arg4[%add3A_11, %dma_wait3A_22] : memref<262144x64xf32, #tpu.memory_space<hbm>> -> memref<128x64xf32, #tpu.memory_space<hbm>>
        tpu.wait_dma2 semaphore(%run_scoped3A : memref<!tpu.dma_semaphore, #tpu.memory_space<semaphore_mem>>) src(%arg6 : memref<128x64xf32, #tpu.memory_space<vmem>>) dst(%dma_wait3A_23 : memref<128x64xf32, #tpu.memory_space<hbm>>)
        tpu.yield
      }) : () -> ()
    }
    %scan3A_7 = arith.constant 64 : i32
    return
  }
}

module attributes {stable_mosaic.version = 14 : i64} {
  func.func @_knn_body(%arg0: i32, %arg1: i32, %arg2: memref<32x8xf32, #tpu.memory_space<vmem>>, %arg3: memref<1x8x2048xf32, #tpu.memory_space<vmem>>, %arg4: memref<32x32xi32, #tpu.memory_space<vmem>>, %arg5: memref<32x2048xf32, #tpu.memory_space<vmem>>) attributes {dimension_semantics = [#tpu.dimension_semantics<arbitrary>, #tpu.dimension_semantics<arbitrary>], iteration_bounds = array<i64: 4, 64>, scalar_prefetch = 0 : i64, scratch_operands = 1 : i64, tpu.core_type = #tpu.core_type<tc>, window_params = [{transform_indices = @transform_0, window_bounds = array<i64: 32, 8>}, {transform_indices = @transform_1, window_bounds = array<i64: 1, 8, 2048>}, {transform_indices = @transform_2, window_bounds = array<i64: 32, 32>}]} {
    %get3A = arith.constant 0 : index
    %get3A_0 = arith.constant 0 : index
    %get3A_1 = vector.load %arg2[%get3A, %get3A_0] : memref<32x8xf32, #tpu.memory_space<vmem>>, vector<32x8xf32>
    %get3A_2 = arith.constant 0 : index
    %get3A_3 = arith.constant 0 : index
    %get3A_4 = arith.constant 0 : index
    %get3A_5 = vector.load %arg3[%get3A_2, %get3A_3, %get3A_4] : memref<1x8x2048xf32, #tpu.memory_space<vmem>>, vector<1x8x2048xf32>
    %get3A_6 = vector.shape_cast %get3A_5 : vector<1x8x2048xf32> to vector<8x2048xf32>
    %dot_general3A = arith.constant dense<0.000000e+00> : vector<32x2048xf32>
    %dot_general3A_7 = tpu.matmul %get3A_1, %get3A_6, %dot_general3A {dimension_numbers = #tpu.dot_dimension_numbers<[1], [0], [0], [1], [0, 0, 1, 1], [], []>, transpose_lhs_hint = false} : vector<32x8xf32>, vector<8x2048xf32>, vector<32x2048xf32> -> vector<32x2048xf32>
    %mul3A = arith.constant -2.000000e+00 : f32
    %mul3A_8 = vector.broadcast %mul3A : f32 to vector<32x2048xf32>
    %mul3A_9 = arith.mulf %mul3A_8, %dot_general3A_7 : vector<32x2048xf32>
    %mul3A_10 = arith.mulf %get3A_1, %get3A_1 : vector<32x8xf32>
    %reduce_sum3A = arith.constant dense<0.000000e+00> : vector<32xf32>
    %reduce_sum3A_11 = vector.multi_reduction <add>, %mul3A_10, %reduce_sum3A [1] : vector<32x8xf32> to vector<32xf32>
    %broadcast_in_dim3A = vector.shape_cast %reduce_sum3A_11 : vector<32xf32> to vector<32x1xf32>
    %mul3A_12 = arith.mulf %get3A_6, %get3A_6 : vector<8x2048xf32>
    %reduce_sum3A_13 = arith.constant dense<0.000000e+00> : vector<2048xf32>
    %reduce_sum3A_14 = vector.multi_reduction <add>, %mul3A_12, %reduce_sum3A_13 [0] : vector<8x2048xf32> to vector<2048xf32>
    %broadcast_in_dim3A_15 = vector.shape_cast %reduce_sum3A_14 : vector<2048xf32> to vector<1x2048xf32>
    %neg3A = arith.constant 0.000000e+00 : f32
    %neg3A_16 = vector.broadcast %neg3A : f32 to vector<32x1xf32>
    %neg3A_17 = arith.subf %neg3A_16, %broadcast_in_dim3A : vector<32x1xf32>
    %sub3A = vector.broadcast %neg3A_17 : vector<32x1xf32> to vector<32x2048xf32>
    %sub3A_18 = arith.subf %sub3A, %mul3A_9 : vector<32x2048xf32>
    %sub3A_19 = vector.broadcast %broadcast_in_dim3A_15 : vector<1x2048xf32> to vector<32x2048xf32>
    %sub3A_20 = arith.subf %sub3A_18, %sub3A_19 : vector<32x2048xf32>
    %swap3A = arith.constant 0 : index
    %swap3A_21 = arith.constant 0 : index
    %swap3A_22 = vector.load %arg5[%swap3A, %swap3A_21] : memref<32x2048xf32, #tpu.memory_space<vmem>>, vector<32x2048xf32>
    tpu.vector_store %arg5[%swap3A, %swap3A_21], %sub3A_20 {strides = array<i32>} : memref<32x2048xf32, #tpu.memory_space<vmem>>, vector<32x2048xf32>,
    %iota3A = tpu.iota {dimensions = array<i32: 1>} : vector<32x2048xi32>
    %mul3A_23 = arith.constant 2048 : i32
    %mul3A_24 = arith.muli %arg0, %mul3A_23 : i32
    %get3A_25 = arith.constant 0 : index
    %get3A_26 = arith.constant 0 : index
    %get3A_27 = vector.load %arg5[%get3A_25, %get3A_26] : memref<32x2048xf32, #tpu.memory_space<vmem>>, vector<32x2048xf32>
    %reduce_max3A = arith.constant dense<0xFF800000> : vector<32xf32>
    %reduce_max3A_28 = vector.multi_reduction <maximumf>, %get3A_27, %reduce_max3A [1] : vector<32x2048xf32> to vector<32xf32>
    %broadcast_in_dim3A_29 = vector.shape_cast %reduce_max3A_28 : vector<32xf32> to vector<32x1xf32>
    %eq3A = vector.broadcast %broadcast_in_dim3A_29 : vector<32x1xf32> to vector<32x2048xf32>
    %eq3A_30 = arith.cmpf oeq, %get3A_27, %eq3A : vector<32x2048xf32>
    %jit3A = arith.constant 2048 : i32
    %broadcast_in_dim3A_31 = vector.broadcast %jit3A : i32 to vector<32x2048xi32>
    %select_n3A = arith.select %eq3A_30, %iota3A, %broadcast_in_dim3A_31 : vector<32x2048xi1>, vector<32x2048xi32>
    %reduce_min3A = arith.constant dense<2147483647> : vector<32xi32>
    %reduce_min3A_32 = vector.multi_reduction <minsi>, %select_n3A, %reduce_min3A [1] : vector<32x2048xi32> to vector<32xi32>
    %broadcast_in_dim3A_33 = vector.shape_cast %reduce_min3A_32 : vector<32xi32> to vector<32x1xi32>
    %eq3A_34 = vector.broadcast %broadcast_in_dim3A_33 : vector<32x1xi32> to vector<32x2048xi32>
    %eq3A_35 = arith.cmpi eq, %iota3A, %eq3A_34 : vector<32x2048xi32>
    %jit3A_36 = arith.constant 0xFF800000 : f32
    %broadcast_in_dim3A_37 = vector.broadcast %jit3A_36 : f32 to vector<32x2048xf32>
    %select_n3A_38 = arith.select %eq3A_35, %broadcast_in_dim3A_37, %get3A_27 : vector<32x2048xi1>, vector<32x2048xf32>
    %swap3A_39 = arith.constant 0 : index
    %swap3A_40 = arith.constant 0 : index
    %swap3A_41 = vector.load %arg5[%swap3A_39, %swap3A_40] : memref<32x2048xf32, #tpu.memory_space<vmem>>, vector<32x2048xf32>
    tpu.vector_store %arg5[%swap3A_39, %swap3A_40], %select_n3A_38 {strides = array<i32>} : memref<32x2048xf32, #tpu.memory_space<vmem>>, vector<32x2048xf32>,
    %get3A_42 = arith.constant 0 : index
    %get3A_43 = arith.constant 0 : index
    %get3A_44 = vector.load %arg5[%get3A_42, %get3A_43] : memref<32x2048xf32, #tpu.memory_space<vmem>>, vector<32x2048xf32>
    %reduce_max3A_45 = arith.constant dense<0xFF800000> : vector<32xf32>
    %reduce_max3A_46 = vector.multi_reduction <maximumf>, %get3A_44, %reduce_max3A_45 [1] : vector<32x2048xf32> to vector<32xf32>
    %broadcast_in_dim3A_47 = vector.shape_cast %reduce_max3A_46 : vector<32xf32> to vector<32x1xf32>
    %eq3A_48 = vector.broadcast %broadcast_in_dim3A_47 : vector<32x1xf32> to vector<32x2048xf32>
    %eq3A_49 = arith.cmpf oeq, %get3A_44, %eq3A_48 : vector<32x2048xf32>
    %jit3A_50 = arith.constant 2048 : i32
    %broadcast_in_dim3A_51 = vector.broadcast %jit3A_50 : i32 to vector<32x2048xi32>
    %select_n3A_52 = arith.select %eq3A_49, %iota3A, %broadcast_in_dim3A_51 : vector<32x2048xi1>, vector<32x2048xi32>
    %reduce_min3A_53 = arith.constant dense<2147483647> : vector<32xi32>
    %reduce_min3A_54 = vector.multi_reduction <minsi>, %select_n3A_52, %reduce_min3A_53 [1] : vector<32x2048xi32> to vector<32xi32>
    %broadcast_in_dim3A_55 = vector.shape_cast %reduce_min3A_54 : vector<32xi32> to vector<32x1xi32>
    %eq3A_56 = vector.broadcast %broadcast_in_dim3A_55 : vector<32x1xi32> to vector<32x2048xi32>
    %eq3A_57 = arith.cmpi eq, %iota3A, %eq3A_56 : vector<32x2048xi32>
    %jit3A_58 = arith.constant 0xFF800000 : f32
    %broadcast_in_dim3A_59 = vector.broadcast %jit3A_58 : f32 to vector<32x2048xf32>
    %select_n3A_60 = arith.select %eq3A_57, %broadcast_in_dim3A_59, %get3A_44 : vector<32x2048xi1>, vector<32x2048xf32>
    %swap3A_61 = arith.constant 0 : index
    %swap3A_62 = arith.constant 0 : index
    %swap3A_63 = vector.load %arg5[%swap3A_61, %swap3A_62] : memref<32x2048xf32, #tpu.memory_space<vmem>>, vector<32x2048xf32>
    tpu.vector_store %arg5[%swap3A_61, %swap3A_62], %select_n3A_60 {strides = array<i32>} : memref<32x2048xf32, #tpu.memory_space<vmem>>, vector<32x2048xf32>,
    %get3A_64 = arith.constant 0 : index
    %get3A_65 = arith.constant 0 : index
    %get3A_66 = vector.load %arg5[%get3A_64, %get3A_65] : memref<32x2048xf32, #tpu.memory_space<vmem>>, vector<32x2048xf32>
    %reduce_max3A_67 = arith.constant dense<0xFF800000> : vector<32xf32>
    %reduce_max3A_68 = vector.multi_reduction <maximumf>, %get3A_66, %reduce_max3A_67 [1] : vector<32x2048xf32> to vector<32xf32>
    %broadcast_in_dim3A_69 = vector.shape_cast %reduce_max3A_68 : vector<32xf32> to vector<32x1xf32>
    %eq3A_70 = vector.broadcast %broadcast_in_dim3A_69 : vector<32x1xf32> to vector<32x2048xf32>
    %eq3A_71 = arith.cmpf oeq, %get3A_66, %eq3A_70 : vector<32x2048xf32>
    %jit3A_72 = arith.constant 2048 : i32
    %broadcast_in_dim3A_73 = vector.broadcast %jit3A_72 : i32 to vector<32x2048xi32>
    %select_n3A_74 = arith.select %eq3A_71, %iota3A, %broadcast_in_dim3A_73 : vector<32x2048xi1>, vector<32x2048xi32>
    %reduce_min3A_75 = arith.constant dense<2147483647> : vector<32xi32>
    %reduce_min3A_76 = vector.multi_reduction <minsi>, %select_n3A_74, %reduce_min3A_75 [1] : vector<32x2048xi32> to vector<32xi32>
    %broadcast_in_dim3A_77 = vector.shape_cast %reduce_min3A_76 : vector<32xi32> to vector<32x1xi32>
    %eq3A_78 = vector.broadcast %broadcast_in_dim3A_77 : vector<32x1xi32> to vector<32x2048xi32>
    %eq3A_79 = arith.cmpi eq, %iota3A, %eq3A_78 : vector<32x2048xi32>
    %jit3A_80 = arith.constant 0xFF800000 : f32
    %broadcast_in_dim3A_81 = vector.broadcast %jit3A_80 : f32 to vector<32x2048xf32>
    %select_n3A_82 = arith.select %eq3A_79, %broadcast_in_dim3A_81, %get3A_66 : vector<32x2048xi1>, vector<32x2048xf32>
    %swap3A_83 = arith.constant 0 : index
    %swap3A_84 = arith.constant 0 : index
    %swap3A_85 = vector.load %arg5[%swap3A_83, %swap3A_84] : memref<32x2048xf32, #tpu.memory_space<vmem>>, vector<32x2048xf32>
    tpu.vector_store %arg5[%swap3A_83, %swap3A_84], %select_n3A_82 {strides = array<i32>} : memref<32x2048xf32, #tpu.memory_space<vmem>>, vector<32x2048xf32>,
    %get3A_86 = arith.constant 0 : index
    %get3A_87 = arith.constant 0 : index
    %get3A_88 = vector.load %arg5[%get3A_86, %get3A_87] : memref<32x2048xf32, #tpu.memory_space<vmem>>, vector<32x2048xf32>
    %reduce_max3A_89 = arith.constant dense<0xFF800000> : vector<32xf32>
    %reduce_max3A_90 = vector.multi_reduction <maximumf>, %get3A_88, %reduce_max3A_89 [1] : vector<32x2048xf32> to vector<32xf32>
    %broadcast_in_dim3A_91 = vector.shape_cast %reduce_max3A_90 : vector<32xf32> to vector<32x1xf32>
    %eq3A_92 = vector.broadcast %broadcast_in_dim3A_91 : vector<32x1xf32> to vector<32x2048xf32>
    %eq3A_93 = arith.cmpf oeq, %get3A_88, %eq3A_92 : vector<32x2048xf32>
    %jit3A_94 = arith.constant 2048 : i32
    %broadcast_in_dim3A_95 = vector.broadcast %jit3A_94 : i32 to vector<32x2048xi32>
    %select_n3A_96 = arith.select %eq3A_93, %iota3A, %broadcast_in_dim3A_95 : vector<32x2048xi1>, vector<32x2048xi32>
    %reduce_min3A_97 = arith.constant dense<2147483647> : vector<32xi32>
    %reduce_min3A_98 = vector.multi_reduction <minsi>, %select_n3A_96, %reduce_min3A_97 [1] : vector<32x2048xi32> to vector<32xi32>
    %broadcast_in_dim3A_99 = vector.shape_cast %reduce_min3A_98 : vector<32xi32> to vector<32x1xi32>
    %eq3A_100 = vector.broadcast %broadcast_in_dim3A_99 : vector<32x1xi32> to vector<32x2048xi32>
    %eq3A_101 = arith.cmpi eq, %iota3A, %eq3A_100 : vector<32x2048xi32>
    %jit3A_102 = arith.constant 0xFF800000 : f32
    %broadcast_in_dim3A_103 = vector.broadcast %jit3A_102 : f32 to vector<32x2048xf32>
    %select_n3A_104 = arith.select %eq3A_101, %broadcast_in_dim3A_103, %get3A_88 : vector<32x2048xi1>, vector<32x2048xf32>
    %swap3A_105 = arith.constant 0 : index
    %swap3A_106 = arith.constant 0 : index
    %swap3A_107 = vector.load %arg5[%swap3A_105, %swap3A_106] : memref<32x2048xf32, #tpu.memory_space<vmem>>, vector<32x2048xf32>
    tpu.vector_store %arg5[%swap3A_105, %swap3A_106], %select_n3A_104 {strides = array<i32>} : memref<32x2048xf32, #tpu.memory_space<vmem>>, vector<32x2048xf32>,
    %get3A_108 = arith.constant 0 : index
    %get3A_109 = arith.constant 0 : index
    %get3A_110 = vector.load %arg5[%get3A_108, %get3A_109] : memref<32x2048xf32, #tpu.memory_space<vmem>>, vector<32x2048xf32>
    %reduce_max3A_111 = arith.constant dense<0xFF800000> : vector<32xf32>
    %reduce_max3A_112 = vector.multi_reduction <maximumf>, %get3A_110, %reduce_max3A_111 [1] : vector<32x2048xf32> to vector<32xf32>
    %broadcast_in_dim3A_113 = vector.shape_cast %reduce_max3A_112 : vector<32xf32> to vector<32x1xf32>
    %eq3A_114 = vector.broadcast %broadcast_in_dim3A_113 : vector<32x1xf32> to vector<32x2048xf32>
    %eq3A_115 = arith.cmpf oeq, %get3A_110, %eq3A_114 : vector<32x2048xf32>
    %jit3A_116 = arith.constant 2048 : i32
    %broadcast_in_dim3A_117 = vector.broadcast %jit3A_116 : i32 to vector<32x2048xi32>
    %select_n3A_118 = arith.select %eq3A_115, %iota3A, %broadcast_in_dim3A_117 : vector<32x2048xi1>, vector<32x2048xi32>
    %reduce_min3A_119 = arith.constant dense<2147483647> : vector<32xi32>
    %reduce_min3A_120 = vector.multi_reduction <minsi>, %select_n3A_118, %reduce_min3A_119 [1] : vector<32x2048xi32> to vector<32xi32>
    %broadcast_in_dim3A_121 = vector.shape_cast %reduce_min3A_120 : vector<32xi32> to vector<32x1xi32>
    %eq3A_122 = vector.broadcast %broadcast_in_dim3A_121 : vector<32x1xi32> to vector<32x2048xi32>
    %eq3A_123 = arith.cmpi eq, %iota3A, %eq3A_122 : vector<32x2048xi32>
    %jit3A_124 = arith.constant 0xFF800000 : f32
    %broadcast_in_dim3A_125 = vector.broadcast %jit3A_124 : f32 to vector<32x2048xf32>
    %select_n3A_126 = arith.select %eq3A_123, %broadcast_in_dim3A_125, %get3A_110 : vector<32x2048xi1>, vector<32x2048xf32>
    %swap3A_127 = arith.constant 0 : index
    %swap3A_128 = arith.constant 0 : index
    %swap3A_129 = vector.load %arg5[%swap3A_127, %swap3A_128] : memref<32x2048xf32, #tpu.memory_space<vmem>>, vector<32x2048xf32>
    tpu.vector_store %arg5[%swap3A_127, %swap3A_128], %select_n3A_126 {strides = array<i32>} : memref<32x2048xf32, #tpu.memory_space<vmem>>, vector<32x2048xf32>,
    %get3A_130 = arith.constant 0 : index
    %get3A_131 = arith.constant 0 : index
    %get3A_132 = vector.load %arg5[%get3A_130, %get3A_131] : memref<32x2048xf32, #tpu.memory_space<vmem>>, vector<32x2048xf32>
    %reduce_max3A_133 = arith.constant dense<0xFF800000> : vector<32xf32>
    %reduce_max3A_134 = vector.multi_reduction <maximumf>, %get3A_132, %reduce_max3A_133 [1] : vector<32x2048xf32> to vector<32xf32>
    %broadcast_in_dim3A_135 = vector.shape_cast %reduce_max3A_134 : vector<32xf32> to vector<32x1xf32>
    %eq3A_136 = vector.broadcast %broadcast_in_dim3A_135 : vector<32x1xf32> to vector<32x2048xf32>
    %eq3A_137 = arith.cmpf oeq, %get3A_132, %eq3A_136 : vector<32x2048xf32>
    %jit3A_138 = arith.constant 2048 : i32
    %broadcast_in_dim3A_139 = vector.broadcast %jit3A_138 : i32 to vector<32x2048xi32>
    %select_n3A_140 = arith.select %eq3A_137, %iota3A, %broadcast_in_dim3A_139 : vector<32x2048xi1>, vector<32x2048xi32>
    %reduce_min3A_141 = arith.constant dense<2147483647> : vector<32xi32>
    %reduce_min3A_142 = vector.multi_reduction <minsi>, %select_n3A_140, %reduce_min3A_141 [1] : vector<32x2048xi32> to vector<32xi32>
    %broadcast_in_dim3A_143 = vector.shape_cast %reduce_min3A_142 : vector<32xi32> to vector<32x1xi32>
    %eq3A_144 = vector.broadcast %broadcast_in_dim3A_143 : vector<32x1xi32> to vector<32x2048xi32>
    %eq3A_145 = arith.cmpi eq, %iota3A, %eq3A_144 : vector<32x2048xi32>
    %jit3A_146 = arith.constant 0xFF800000 : f32
    %broadcast_in_dim3A_147 = vector.broadcast %jit3A_146 : f32 to vector<32x2048xf32>
    %select_n3A_148 = arith.select %eq3A_145, %broadcast_in_dim3A_147, %get3A_132 : vector<32x2048xi1>, vector<32x2048xf32>
    %swap3A_149 = arith.constant 0 : index
    %swap3A_150 = arith.constant 0 : index
    %swap3A_151 = vector.load %arg5[%swap3A_149, %swap3A_150] : memref<32x2048xf32, #tpu.memory_space<vmem>>, vector<32x2048xf32>
    tpu.vector_store %arg5[%swap3A_149, %swap3A_150], %select_n3A_148 {strides = array<i32>} : memref<32x2048xf32, #tpu.memory_space<vmem>>, vector<32x2048xf32>,
    %get3A_152 = arith.constant 0 : index
    %get3A_153 = arith.constant 0 : index
    %get3A_154 = vector.load %arg5[%get3A_152, %get3A_153] : memref<32x2048xf32, #tpu.memory_space<vmem>>, vector<32x2048xf32>
    %reduce_max3A_155 = arith.constant dense<0xFF800000> : vector<32xf32>
    %reduce_max3A_156 = vector.multi_reduction <maximumf>, %get3A_154, %reduce_max3A_155 [1] : vector<32x2048xf32> to vector<32xf32>
    %broadcast_in_dim3A_157 = vector.shape_cast %reduce_max3A_156 : vector<32xf32> to vector<32x1xf32>
    %eq3A_158 = vector.broadcast %broadcast_in_dim3A_157 : vector<32x1xf32> to vector<32x2048xf32>
    %eq3A_159 = arith.cmpf oeq, %get3A_154, %eq3A_158 : vector<32x2048xf32>
    %jit3A_160 = arith.constant 2048 : i32
    %broadcast_in_dim3A_161 = vector.broadcast %jit3A_160 : i32 to vector<32x2048xi32>
    %select_n3A_162 = arith.select %eq3A_159, %iota3A, %broadcast_in_dim3A_161 : vector<32x2048xi1>, vector<32x2048xi32>
    %reduce_min3A_163 = arith.constant dense<2147483647> : vector<32xi32>
    %reduce_min3A_164 = vector.multi_reduction <minsi>, %select_n3A_162, %reduce_min3A_163 [1] : vector<32x2048xi32> to vector<32xi32>
    %broadcast_in_dim3A_165 = vector.shape_cast %reduce_min3A_164 : vector<32xi32> to vector<32x1xi32>
    %eq3A_166 = vector.broadcast %broadcast_in_dim3A_165 : vector<32x1xi32> to vector<32x2048xi32>
    %eq3A_167 = arith.cmpi eq, %iota3A, %eq3A_166 : vector<32x2048xi32>
    %jit3A_168 = arith.constant 0xFF800000 : f32
    %broadcast_in_dim3A_169 = vector.broadcast %jit3A_168 : f32 to vector<32x2048xf32>
    %select_n3A_170 = arith.select %eq3A_167, %broadcast_in_dim3A_169, %get3A_154 : vector<32x2048xi1>, vector<32x2048xf32>
    %swap3A_171 = arith.constant 0 : index
    %swap3A_172 = arith.constant 0 : index
    %swap3A_173 = vector.load %arg5[%swap3A_171, %swap3A_172] : memref<32x2048xf32, #tpu.memory_space<vmem>>, vector<32x2048xf32>
    tpu.vector_store %arg5[%swap3A_171, %swap3A_172], %select_n3A_170 {strides = array<i32>} : memref<32x2048xf32, #tpu.memory_space<vmem>>, vector<32x2048xf32>,
    %get3A_174 = arith.constant 0 : index
    %get3A_175 = arith.constant 0 : index
    %get3A_176 = vector.load %arg5[%get3A_174, %get3A_175] : memref<32x2048xf32, #tpu.memory_space<vmem>>, vector<32x2048xf32>
    %reduce_max3A_177 = arith.constant dense<0xFF800000> : vector<32xf32>
    %reduce_max3A_178 = vector.multi_reduction <maximumf>, %get3A_176, %reduce_max3A_177 [1] : vector<32x2048xf32> to vector<32xf32>
    %broadcast_in_dim3A_179 = vector.shape_cast %reduce_max3A_178 : vector<32xf32> to vector<32x1xf32>
    %eq3A_180 = vector.broadcast %broadcast_in_dim3A_179 : vector<32x1xf32> to vector<32x2048xf32>
    %eq3A_181 = arith.cmpf oeq, %get3A_176, %eq3A_180 : vector<32x2048xf32>
    %jit3A_182 = arith.constant 2048 : i32
    %broadcast_in_dim3A_183 = vector.broadcast %jit3A_182 : i32 to vector<32x2048xi32>
    %select_n3A_184 = arith.select %eq3A_181, %iota3A, %broadcast_in_dim3A_183 : vector<32x2048xi1>, vector<32x2048xi32>
    %reduce_min3A_185 = arith.constant dense<2147483647> : vector<32xi32>
    %reduce_min3A_186 = vector.multi_reduction <minsi>, %select_n3A_184, %reduce_min3A_185 [1] : vector<32x2048xi32> to vector<32xi32>
    %broadcast_in_dim3A_187 = vector.shape_cast %reduce_min3A_186 : vector<32xi32> to vector<32x1xi32>
    %eq3A_188 = vector.broadcast %broadcast_in_dim3A_187 : vector<32x1xi32> to vector<32x2048xi32>
    %eq3A_189 = arith.cmpi eq, %iota3A, %eq3A_188 : vector<32x2048xi32>
    %jit3A_190 = arith.constant 0xFF800000 : f32
    %broadcast_in_dim3A_191 = vector.broadcast %jit3A_190 : f32 to vector<32x2048xf32>
    %select_n3A_192 = arith.select %eq3A_189, %broadcast_in_dim3A_191, %get3A_176 : vector<32x2048xi1>, vector<32x2048xf32>
    %swap3A_193 = arith.constant 0 : index
    %swap3A_194 = arith.constant 0 : index
    %swap3A_195 = vector.load %arg5[%swap3A_193, %swap3A_194] : memref<32x2048xf32, #tpu.memory_space<vmem>>, vector<32x2048xf32>
    tpu.vector_store %arg5[%swap3A_193, %swap3A_194], %select_n3A_192 {strides = array<i32>} : memref<32x2048xf32, #tpu.memory_space<vmem>>, vector<32x2048xf32>,
    %get3A_196 = arith.constant 0 : index
    %get3A_197 = arith.constant 0 : index
    %get3A_198 = vector.load %arg5[%get3A_196, %get3A_197] : memref<32x2048xf32, #tpu.memory_space<vmem>>, vector<32x2048xf32>
    %reduce_max3A_199 = arith.constant dense<0xFF800000> : vector<32xf32>
    %reduce_max3A_200 = vector.multi_reduction <maximumf>, %get3A_198, %reduce_max3A_199 [1] : vector<32x2048xf32> to vector<32xf32>
    %broadcast_in_dim3A_201 = vector.shape_cast %reduce_max3A_200 : vector<32xf32> to vector<32x1xf32>
    %eq3A_202 = vector.broadcast %broadcast_in_dim3A_201 : vector<32x1xf32> to vector<32x2048xf32>
    %eq3A_203 = arith.cmpf oeq, %get3A_198, %eq3A_202 : vector<32x2048xf32>
    %jit3A_204 = arith.constant 2048 : i32
    %broadcast_in_dim3A_205 = vector.broadcast %jit3A_204 : i32 to vector<32x2048xi32>
    %select_n3A_206 = arith.select %eq3A_203, %iota3A, %broadcast_in_dim3A_205 : vector<32x2048xi1>, vector<32x2048xi32>
    %reduce_min3A_207 = arith.constant dense<2147483647> : vector<32xi32>
    %reduce_min3A_208 = vector.multi_reduction <minsi>, %select_n3A_206, %reduce_min3A_207 [1] : vector<32x2048xi32> to vector<32xi32>
    %broadcast_in_dim3A_209 = vector.shape_cast %reduce_min3A_208 : vector<32xi32> to vector<32x1xi32>
    %eq3A_210 = vector.broadcast %broadcast_in_dim3A_209 : vector<32x1xi32> to vector<32x2048xi32>
    %eq3A_211 = arith.cmpi eq, %iota3A, %eq3A_210 : vector<32x2048xi32>
    %jit3A_212 = arith.constant 0xFF800000 : f32
    %broadcast_in_dim3A_213 = vector.broadcast %jit3A_212 : f32 to vector<32x2048xf32>
    %select_n3A_214 = arith.select %eq3A_211, %broadcast_in_dim3A_213, %get3A_198 : vector<32x2048xi1>, vector<32x2048xf32>
    %swap3A_215 = arith.constant 0 : index
    %swap3A_216 = arith.constant 0 : index
    %swap3A_217 = vector.load %arg5[%swap3A_215, %swap3A_216] : memref<32x2048xf32, #tpu.memory_space<vmem>>, vector<32x2048xf32>
    tpu.vector_store %arg5[%swap3A_215, %swap3A_216], %select_n3A_214 {strides = array<i32>} : memref<32x2048xf32, #tpu.memory_space<vmem>>, vector<32x2048xf32>,
    %get3A_218 = arith.constant 0 : index
    %get3A_219 = arith.constant 0 : index
    %get3A_220 = vector.load %arg5[%get3A_218, %get3A_219] : memref<32x2048xf32, #tpu.memory_space<vmem>>, vector<32x2048xf32>
    %reduce_max3A_221 = arith.constant dense<0xFF800000> : vector<32xf32>
    %reduce_max3A_222 = vector.multi_reduction <maximumf>, %get3A_220, %reduce_max3A_221 [1] : vector<32x2048xf32> to vector<32xf32>
    %broadcast_in_dim3A_223 = vector.shape_cast %reduce_max3A_222 : vector<32xf32> to vector<32x1xf32>
    %eq3A_224 = vector.broadcast %broadcast_in_dim3A_223 : vector<32x1xf32> to vector<32x2048xf32>
    %eq3A_225 = arith.cmpf oeq, %get3A_220, %eq3A_224 : vector<32x2048xf32>
    %jit3A_226 = arith.constant 2048 : i32
    %broadcast_in_dim3A_227 = vector.broadcast %jit3A_226 : i32 to vector<32x2048xi32>
    %select_n3A_228 = arith.select %eq3A_225, %iota3A, %broadcast_in_dim3A_227 : vector<32x2048xi1>, vector<32x2048xi32>
    %reduce_min3A_229 = arith.constant dense<2147483647> : vector<32xi32>
    %reduce_min3A_230 = vector.multi_reduction <minsi>, %select_n3A_228, %reduce_min3A_229 [1] : vector<32x2048xi32> to vector<32xi32>
    %broadcast_in_dim3A_231 = vector.shape_cast %reduce_min3A_230 : vector<32xi32> to vector<32x1xi32>
    %eq3A_232 = vector.broadcast %broadcast_in_dim3A_231 : vector<32x1xi32> to vector<32x2048xi32>
    %eq3A_233 = arith.cmpi eq, %iota3A, %eq3A_232 : vector<32x2048xi32>
    %jit3A_234 = arith.constant 0xFF800000 : f32
    %broadcast_in_dim3A_235 = vector.broadcast %jit3A_234 : f32 to vector<32x2048xf32>
    %select_n3A_236 = arith.select %eq3A_233, %broadcast_in_dim3A_235, %get3A_220 : vector<32x2048xi1>, vector<32x2048xf32>
    %swap3A_237 = arith.constant 0 : index
    %swap3A_238 = arith.constant 0 : index
    %swap3A_239 = vector.load %arg5[%swap3A_237, %swap3A_238] : memref<32x2048xf32, #tpu.memory_space<vmem>>, vector<32x2048xf32>
    tpu.vector_store %arg5[%swap3A_237, %swap3A_238], %select_n3A_236 {strides = array<i32>} : memref<32x2048xf32, #tpu.memory_space<vmem>>, vector<32x2048xf32>,
    %get3A_240 = arith.constant 0 : index
    %get3A_241 = arith.constant 0 : index
    %get3A_242 = vector.load %arg5[%get3A_240, %get3A_241] : memref<32x2048xf32, #tpu.memory_space<vmem>>, vector<32x2048xf32>
    %reduce_max3A_243 = arith.constant dense<0xFF800000> : vector<32xf32>
    %reduce_max3A_244 = vector.multi_reduction <maximumf>, %get3A_242, %reduce_max3A_243 [1] : vector<32x2048xf32> to vector<32xf32>
    %broadcast_in_dim3A_245 = vector.shape_cast %reduce_max3A_244 : vector<32xf32> to vector<32x1xf32>
    %eq3A_246 = vector.broadcast %broadcast_in_dim3A_245 : vector<32x1xf32> to vector<32x2048xf32>
    %eq3A_247 = arith.cmpf oeq, %get3A_242, %eq3A_246 : vector<32x2048xf32>
    %jit3A_248 = arith.constant 2048 : i32
    %broadcast_in_dim3A_249 = vector.broadcast %jit3A_248 : i32 to vector<32x2048xi32>
    %select_n3A_250 = arith.select %eq3A_247, %iota3A, %broadcast_in_dim3A_249 : vector<32x2048xi1>, vector<32x2048xi32>
    %reduce_min3A_251 = arith.constant dense<2147483647> : vector<32xi32>
    %reduce_min3A_252 = vector.multi_reduction <minsi>, %select_n3A_250, %reduce_min3A_251 [1] : vector<32x2048xi32> to vector<32xi32>
    %broadcast_in_dim3A_253 = vector.shape_cast %reduce_min3A_252 : vector<32xi32> to vector<32x1xi32>
    %eq3A_254 = vector.broadcast %broadcast_in_dim3A_253 : vector<32x1xi32> to vector<32x2048xi32>
    %eq3A_255 = arith.cmpi eq, %iota3A, %eq3A_254 : vector<32x2048xi32>
    %jit3A_256 = arith.constant 0xFF800000 : f32
    %broadcast_in_dim3A_257 = vector.broadcast %jit3A_256 : f32 to vector<32x2048xf32>
    %select_n3A_258 = arith.select %eq3A_255, %broadcast_in_dim3A_257, %get3A_242 : vector<32x2048xi1>, vector<32x2048xf32>
    %swap3A_259 = arith.constant 0 : index
    %swap3A_260 = arith.constant 0 : index
    %swap3A_261 = vector.load %arg5[%swap3A_259, %swap3A_260] : memref<32x2048xf32, #tpu.memory_space<vmem>>, vector<32x2048xf32>
    tpu.vector_store %arg5[%swap3A_259, %swap3A_260], %select_n3A_258 {strides = array<i32>} : memref<32x2048xf32, #tpu.memory_space<vmem>>, vector<32x2048xf32>,
    %get3A_262 = arith.constant 0 : index
    %get3A_263 = arith.constant 0 : index
    %get3A_264 = vector.load %arg5[%get3A_262, %get3A_263] : memref<32x2048xf32, #tpu.memory_space<vmem>>, vector<32x2048xf32>
    %reduce_max3A_265 = arith.constant dense<0xFF800000> : vector<32xf32>
    %reduce_max3A_266 = vector.multi_reduction <maximumf>, %get3A_264, %reduce_max3A_265 [1] : vector<32x2048xf32> to vector<32xf32>
    %broadcast_in_dim3A_267 = vector.shape_cast %reduce_max3A_266 : vector<32xf32> to vector<32x1xf32>
    %eq3A_268 = vector.broadcast %broadcast_in_dim3A_267 : vector<32x1xf32> to vector<32x2048xf32>
    %eq3A_269 = arith.cmpf oeq, %get3A_264, %eq3A_268 : vector<32x2048xf32>
    %jit3A_270 = arith.constant 2048 : i32
    %broadcast_in_dim3A_271 = vector.broadcast %jit3A_270 : i32 to vector<32x2048xi32>
    %select_n3A_272 = arith.select %eq3A_269, %iota3A, %broadcast_in_dim3A_271 : vector<32x2048xi1>, vector<32x2048xi32>
    %reduce_min3A_273 = arith.constant dense<2147483647> : vector<32xi32>
    %reduce_min3A_274 = vector.multi_reduction <minsi>, %select_n3A_272, %reduce_min3A_273 [1] : vector<32x2048xi32> to vector<32xi32>
    %broadcast_in_dim3A_275 = vector.shape_cast %reduce_min3A_274 : vector<32xi32> to vector<32x1xi32>
    %eq3A_276 = vector.broadcast %broadcast_in_dim3A_275 : vector<32x1xi32> to vector<32x2048xi32>
    %eq3A_277 = arith.cmpi eq, %iota3A, %eq3A_276 : vector<32x2048xi32>
    %jit3A_278 = arith.constant 0xFF800000 : f32
    %broadcast_in_dim3A_279 = vector.broadcast %jit3A_278 : f32 to vector<32x2048xf32>
    %select_n3A_280 = arith.select %eq3A_277, %broadcast_in_dim3A_279, %get3A_264 : vector<32x2048xi1>, vector<32x2048xf32>
    %swap3A_281 = arith.constant 0 : index
    %swap3A_282 = arith.constant 0 : index
    %swap3A_283 = vector.load %arg5[%swap3A_281, %swap3A_282] : memref<32x2048xf32, #tpu.memory_space<vmem>>, vector<32x2048xf32>
    tpu.vector_store %arg5[%swap3A_281, %swap3A_282], %select_n3A_280 {strides = array<i32>} : memref<32x2048xf32, #tpu.memory_space<vmem>>, vector<32x2048xf32>,
    %get3A_284 = arith.constant 0 : index
    %get3A_285 = arith.constant 0 : index
    %get3A_286 = vector.load %arg5[%get3A_284, %get3A_285] : memref<32x2048xf32, #tpu.memory_space<vmem>>, vector<32x2048xf32>
    %reduce_max3A_287 = arith.constant dense<0xFF800000> : vector<32xf32>
    %reduce_max3A_288 = vector.multi_reduction <maximumf>, %get3A_286, %reduce_max3A_287 [1] : vector<32x2048xf32> to vector<32xf32>
    %broadcast_in_dim3A_289 = vector.shape_cast %reduce_max3A_288 : vector<32xf32> to vector<32x1xf32>
    %eq3A_290 = vector.broadcast %broadcast_in_dim3A_289 : vector<32x1xf32> to vector<32x2048xf32>
    %eq3A_291 = arith.cmpf oeq, %get3A_286, %eq3A_290 : vector<32x2048xf32>
    %jit3A_292 = arith.constant 2048 : i32
    %broadcast_in_dim3A_293 = vector.broadcast %jit3A_292 : i32 to vector<32x2048xi32>
    %select_n3A_294 = arith.select %eq3A_291, %iota3A, %broadcast_in_dim3A_293 : vector<32x2048xi1>, vector<32x2048xi32>
    %reduce_min3A_295 = arith.constant dense<2147483647> : vector<32xi32>
    %reduce_min3A_296 = vector.multi_reduction <minsi>, %select_n3A_294, %reduce_min3A_295 [1] : vector<32x2048xi32> to vector<32xi32>
    %broadcast_in_dim3A_297 = vector.shape_cast %reduce_min3A_296 : vector<32xi32> to vector<32x1xi32>
    %eq3A_298 = vector.broadcast %broadcast_in_dim3A_297 : vector<32x1xi32> to vector<32x2048xi32>
    %eq3A_299 = arith.cmpi eq, %iota3A, %eq3A_298 : vector<32x2048xi32>
    %jit3A_300 = arith.constant 0xFF800000 : f32
    %broadcast_in_dim3A_301 = vector.broadcast %jit3A_300 : f32 to vector<32x2048xf32>
    %select_n3A_302 = arith.select %eq3A_299, %broadcast_in_dim3A_301, %get3A_286 : vector<32x2048xi1>, vector<32x2048xf32>
    %swap3A_303 = arith.constant 0 : index
    %swap3A_304 = arith.constant 0 : index
    %swap3A_305 = vector.load %arg5[%swap3A_303, %swap3A_304] : memref<32x2048xf32, #tpu.memory_space<vmem>>, vector<32x2048xf32>
    tpu.vector_store %arg5[%swap3A_303, %swap3A_304], %select_n3A_302 {strides = array<i32>} : memref<32x2048xf32, #tpu.memory_space<vmem>>, vector<32x2048xf32>,
    %get3A_306 = arith.constant 0 : index
    %get3A_307 = arith.constant 0 : index
    %get3A_308 = vector.load %arg5[%get3A_306, %get3A_307] : memref<32x2048xf32, #tpu.memory_space<vmem>>, vector<32x2048xf32>
    %reduce_max3A_309 = arith.constant dense<0xFF800000> : vector<32xf32>
    %reduce_max3A_310 = vector.multi_reduction <maximumf>, %get3A_308, %reduce_max3A_309 [1] : vector<32x2048xf32> to vector<32xf32>
    %broadcast_in_dim3A_311 = vector.shape_cast %reduce_max3A_310 : vector<32xf32> to vector<32x1xf32>
    %eq3A_312 = vector.broadcast %broadcast_in_dim3A_311 : vector<32x1xf32> to vector<32x2048xf32>
    %eq3A_313 = arith.cmpf oeq, %get3A_308, %eq3A_312 : vector<32x2048xf32>
    %jit3A_314 = arith.constant 2048 : i32
    %broadcast_in_dim3A_315 = vector.broadcast %jit3A_314 : i32 to vector<32x2048xi32>
    %select_n3A_316 = arith.select %eq3A_313, %iota3A, %broadcast_in_dim3A_315 : vector<32x2048xi1>, vector<32x2048xi32>
    %reduce_min3A_317 = arith.constant dense<2147483647> : vector<32xi32>
    %reduce_min3A_318 = vector.multi_reduction <minsi>, %select_n3A_316, %reduce_min3A_317 [1] : vector<32x2048xi32> to vector<32xi32>
    %broadcast_in_dim3A_319 = vector.shape_cast %reduce_min3A_318 : vector<32xi32> to vector<32x1xi32>
    %eq3A_320 = vector.broadcast %broadcast_in_dim3A_319 : vector<32x1xi32> to vector<32x2048xi32>
    %eq3A_321 = arith.cmpi eq, %iota3A, %eq3A_320 : vector<32x2048xi32>
    %jit3A_322 = arith.constant 0xFF800000 : f32
    %broadcast_in_dim3A_323 = vector.broadcast %jit3A_322 : f32 to vector<32x2048xf32>
    %select_n3A_324 = arith.select %eq3A_321, %broadcast_in_dim3A_323, %get3A_308 : vector<32x2048xi1>, vector<32x2048xf32>
    %swap3A_325 = arith.constant 0 : index
    %swap3A_326 = arith.constant 0 : index
    %swap3A_327 = vector.load %arg5[%swap3A_325, %swap3A_326] : memref<32x2048xf32, #tpu.memory_space<vmem>>, vector<32x2048xf32>
    tpu.vector_store %arg5[%swap3A_325, %swap3A_326], %select_n3A_324 {strides = array<i32>} : memref<32x2048xf32, #tpu.memory_space<vmem>>, vector<32x2048xf32>,
    %get3A_328 = arith.constant 0 : index
    %get3A_329 = arith.constant 0 : index
    %get3A_330 = vector.load %arg5[%get3A_328, %get3A_329] : memref<32x2048xf32, #tpu.memory_space<vmem>>, vector<32x2048xf32>
    %reduce_max3A_331 = arith.constant dense<0xFF800000> : vector<32xf32>
    %reduce_max3A_332 = vector.multi_reduction <maximumf>, %get3A_330, %reduce_max3A_331 [1] : vector<32x2048xf32> to vector<32xf32>
    %broadcast_in_dim3A_333 = vector.shape_cast %reduce_max3A_332 : vector<32xf32> to vector<32x1xf32>
    %eq3A_334 = vector.broadcast %broadcast_in_dim3A_333 : vector<32x1xf32> to vector<32x2048xf32>
    %eq3A_335 = arith.cmpf oeq, %get3A_330, %eq3A_334 : vector<32x2048xf32>
    %jit3A_336 = arith.constant 2048 : i32
    %broadcast_in_dim3A_337 = vector.broadcast %jit3A_336 : i32 to vector<32x2048xi32>
    %select_n3A_338 = arith.select %eq3A_335, %iota3A, %broadcast_in_dim3A_337 : vector<32x2048xi1>, vector<32x2048xi32>
    %reduce_min3A_339 = arith.constant dense<2147483647> : vector<32xi32>
    %reduce_min3A_340 = vector.multi_reduction <minsi>, %select_n3A_338, %reduce_min3A_339 [1] : vector<32x2048xi32> to vector<32xi32>
    %broadcast_in_dim3A_341 = vector.shape_cast %reduce_min3A_340 : vector<32xi32> to vector<32x1xi32>
    %eq3A_342 = vector.broadcast %broadcast_in_dim3A_341 : vector<32x1xi32> to vector<32x2048xi32>
    %eq3A_343 = arith.cmpi eq, %iota3A, %eq3A_342 : vector<32x2048xi32>
    %jit3A_344 = arith.constant 0xFF800000 : f32
    %broadcast_in_dim3A_345 = vector.broadcast %jit3A_344 : f32 to vector<32x2048xf32>
    %select_n3A_346 = arith.select %eq3A_343, %broadcast_in_dim3A_345, %get3A_330 : vector<32x2048xi1>, vector<32x2048xf32>
    %swap3A_347 = arith.constant 0 : index
    %swap3A_348 = arith.constant 0 : index
    %swap3A_349 = vector.load %arg5[%swap3A_347, %swap3A_348] : memref<32x2048xf32, #tpu.memory_space<vmem>>, vector<32x2048xf32>
    tpu.vector_store %arg5[%swap3A_347, %swap3A_348], %select_n3A_346 {strides = array<i32>} : memref<32x2048xf32, #tpu.memory_space<vmem>>, vector<32x2048xf32>,
    %get3A_350 = arith.constant 0 : index
    %get3A_351 = arith.constant 0 : index
    %get3A_352 = vector.load %arg5[%get3A_350, %get3A_351] : memref<32x2048xf32, #tpu.memory_space<vmem>>, vector<32x2048xf32>
    %reduce_max3A_353 = arith.constant dense<0xFF800000> : vector<32xf32>
    %reduce_max3A_354 = vector.multi_reduction <maximumf>, %get3A_352, %reduce_max3A_353 [1] : vector<32x2048xf32> to vector<32xf32>
    %broadcast_in_dim3A_355 = vector.shape_cast %reduce_max3A_354 : vector<32xf32> to vector<32x1xf32>
    %eq3A_356 = vector.broadcast %broadcast_in_dim3A_355 : vector<32x1xf32> to vector<32x2048xf32>
    %eq3A_357 = arith.cmpf oeq, %get3A_352, %eq3A_356 : vector<32x2048xf32>
    %jit3A_358 = arith.constant 2048 : i32
    %broadcast_in_dim3A_359 = vector.broadcast %jit3A_358 : i32 to vector<32x2048xi32>
    %select_n3A_360 = arith.select %eq3A_357, %iota3A, %broadcast_in_dim3A_359 : vector<32x2048xi1>, vector<32x2048xi32>
    %reduce_min3A_361 = arith.constant dense<2147483647> : vector<32xi32>
    %reduce_min3A_362 = vector.multi_reduction <minsi>, %select_n3A_360, %reduce_min3A_361 [1] : vector<32x2048xi32> to vector<32xi32>
    %broadcast_in_dim3A_363 = vector.shape_cast %reduce_min3A_362 : vector<32xi32> to vector<32x1xi32>
    %eq3A_364 = vector.broadcast %broadcast_in_dim3A_363 : vector<32x1xi32> to vector<32x2048xi32>
    %eq3A_365 = arith.cmpi eq, %iota3A, %eq3A_364 : vector<32x2048xi32>
    %jit3A_366 = arith.constant 0xFF800000 : f32
    %broadcast_in_dim3A_367 = vector.broadcast %jit3A_366 : f32 to vector<32x2048xf32>
    %select_n3A_368 = arith.select %eq3A_365, %broadcast_in_dim3A_367, %get3A_352 : vector<32x2048xi1>, vector<32x2048xf32>
    %swap3A_369 = arith.constant 0 : index
    %swap3A_370 = arith.constant 0 : index
    %swap3A_371 = vector.load %arg5[%swap3A_369, %swap3A_370] : memref<32x2048xf32, #tpu.memory_space<vmem>>, vector<32x2048xf32>
    tpu.vector_store %arg5[%swap3A_369, %swap3A_370], %select_n3A_368 {strides = array<i32>} : memref<32x2048xf32, #tpu.memory_space<vmem>>, vector<32x2048xf32>,
    %get3A_372 = arith.constant 0 : index
    %get3A_373 = arith.constant 0 : index
    %get3A_374 = vector.load %arg5[%get3A_372, %get3A_373] : memref<32x2048xf32, #tpu.memory_space<vmem>>, vector<32x2048xf32>
    %reduce_max3A_375 = arith.constant dense<0xFF800000> : vector<32xf32>
    %reduce_max3A_376 = vector.multi_reduction <maximumf>, %get3A_374, %reduce_max3A_375 [1] : vector<32x2048xf32> to vector<32xf32>
    %broadcast_in_dim3A_377 = vector.shape_cast %reduce_max3A_376 : vector<32xf32> to vector<32x1xf32>
    %eq3A_378 = vector.broadcast %broadcast_in_dim3A_377 : vector<32x1xf32> to vector<32x2048xf32>
    %eq3A_379 = arith.cmpf oeq, %get3A_374, %eq3A_378 : vector<32x2048xf32>
    %jit3A_380 = arith.constant 2048 : i32
    %broadcast_in_dim3A_381 = vector.broadcast %jit3A_380 : i32 to vector<32x2048xi32>
    %select_n3A_382 = arith.select %eq3A_379, %iota3A, %broadcast_in_dim3A_381 : vector<32x2048xi1>, vector<32x2048xi32>
    %reduce_min3A_383 = arith.constant dense<2147483647> : vector<32xi32>
    %reduce_min3A_384 = vector.multi_reduction <minsi>, %select_n3A_382, %reduce_min3A_383 [1] : vector<32x2048xi32> to vector<32xi32>
    %broadcast_in_dim3A_385 = vector.shape_cast %reduce_min3A_384 : vector<32xi32> to vector<32x1xi32>
    %eq3A_386 = vector.broadcast %broadcast_in_dim3A_385 : vector<32x1xi32> to vector<32x2048xi32>
    %eq3A_387 = arith.cmpi eq, %iota3A, %eq3A_386 : vector<32x2048xi32>
    %jit3A_388 = arith.constant 0xFF800000 : f32
    %broadcast_in_dim3A_389 = vector.broadcast %jit3A_388 : f32 to vector<32x2048xf32>
    %select_n3A_390 = arith.select %eq3A_387, %broadcast_in_dim3A_389, %get3A_374 : vector<32x2048xi1>, vector<32x2048xf32>
    %swap3A_391 = arith.constant 0 : index
    %swap3A_392 = arith.constant 0 : index
    %swap3A_393 = vector.load %arg5[%swap3A_391, %swap3A_392] : memref<32x2048xf32, #tpu.memory_space<vmem>>, vector<32x2048xf32>
    tpu.vector_store %arg5[%swap3A_391, %swap3A_392], %select_n3A_390 {strides = array<i32>} : memref<32x2048xf32, #tpu.memory_space<vmem>>, vector<32x2048xf32>,
    %get3A_394 = arith.constant 0 : index
    %get3A_395 = arith.constant 0 : index
    %get3A_396 = vector.load %arg5[%get3A_394, %get3A_395] : memref<32x2048xf32, #tpu.memory_space<vmem>>, vector<32x2048xf32>
    %reduce_max3A_397 = arith.constant dense<0xFF800000> : vector<32xf32>
    %reduce_max3A_398 = vector.multi_reduction <maximumf>, %get3A_396, %reduce_max3A_397 [1] : vector<32x2048xf32> to vector<32xf32>
    %broadcast_in_dim3A_399 = vector.shape_cast %reduce_max3A_398 : vector<32xf32> to vector<32x1xf32>
    %eq3A_400 = vector.broadcast %broadcast_in_dim3A_399 : vector<32x1xf32> to vector<32x2048xf32>
    %eq3A_401 = arith.cmpf oeq, %get3A_396, %eq3A_400 : vector<32x2048xf32>
    %jit3A_402 = arith.constant 2048 : i32
    %broadcast_in_dim3A_403 = vector.broadcast %jit3A_402 : i32 to vector<32x2048xi32>
    %select_n3A_404 = arith.select %eq3A_401, %iota3A, %broadcast_in_dim3A_403 : vector<32x2048xi1>, vector<32x2048xi32>
    %reduce_min3A_405 = arith.constant dense<2147483647> : vector<32xi32>
    %reduce_min3A_406 = vector.multi_reduction <minsi>, %select_n3A_404, %reduce_min3A_405 [1] : vector<32x2048xi32> to vector<32xi32>
    %broadcast_in_dim3A_407 = vector.shape_cast %reduce_min3A_406 : vector<32xi32> to vector<32x1xi32>
    %eq3A_408 = vector.broadcast %broadcast_in_dim3A_407 : vector<32x1xi32> to vector<32x2048xi32>
    %eq3A_409 = arith.cmpi eq, %iota3A, %eq3A_408 : vector<32x2048xi32>
    %jit3A_410 = arith.constant 0xFF800000 : f32
    %broadcast_in_dim3A_411 = vector.broadcast %jit3A_410 : f32 to vector<32x2048xf32>
    %select_n3A_412 = arith.select %eq3A_409, %broadcast_in_dim3A_411, %get3A_396 : vector<32x2048xi1>, vector<32x2048xf32>
    %swap3A_413 = arith.constant 0 : index
    %swap3A_414 = arith.constant 0 : index
    %swap3A_415 = vector.load %arg5[%swap3A_413, %swap3A_414] : memref<32x2048xf32, #tpu.memory_space<vmem>>, vector<32x2048xf32>
    tpu.vector_store %arg5[%swap3A_413, %swap3A_414], %select_n3A_412 {strides = array<i32>} : memref<32x2048xf32, #tpu.memory_space<vmem>>, vector<32x2048xf32>,
    %get3A_416 = arith.constant 0 : index
    %get3A_417 = arith.constant 0 : index
    %get3A_418 = vector.load %arg5[%get3A_416, %get3A_417] : memref<32x2048xf32, #tpu.memory_space<vmem>>, vector<32x2048xf32>
    %reduce_max3A_419 = arith.constant dense<0xFF800000> : vector<32xf32>
    %reduce_max3A_420 = vector.multi_reduction <maximumf>, %get3A_418, %reduce_max3A_419 [1] : vector<32x2048xf32> to vector<32xf32>
    %broadcast_in_dim3A_421 = vector.shape_cast %reduce_max3A_420 : vector<32xf32> to vector<32x1xf32>
    %eq3A_422 = vector.broadcast %broadcast_in_dim3A_421 : vector<32x1xf32> to vector<32x2048xf32>
    %eq3A_423 = arith.cmpf oeq, %get3A_418, %eq3A_422 : vector<32x2048xf32>
    %jit3A_424 = arith.constant 2048 : i32
    %broadcast_in_dim3A_425 = vector.broadcast %jit3A_424 : i32 to vector<32x2048xi32>
    %select_n3A_426 = arith.select %eq3A_423, %iota3A, %broadcast_in_dim3A_425 : vector<32x2048xi1>, vector<32x2048xi32>
    %reduce_min3A_427 = arith.constant dense<2147483647> : vector<32xi32>
    %reduce_min3A_428 = vector.multi_reduction <minsi>, %select_n3A_426, %reduce_min3A_427 [1] : vector<32x2048xi32> to vector<32xi32>
    %broadcast_in_dim3A_429 = vector.shape_cast %reduce_min3A_428 : vector<32xi32> to vector<32x1xi32>
    %eq3A_430 = vector.broadcast %broadcast_in_dim3A_429 : vector<32x1xi32> to vector<32x2048xi32>
    %eq3A_431 = arith.cmpi eq, %iota3A, %eq3A_430 : vector<32x2048xi32>
    %jit3A_432 = arith.constant 0xFF800000 : f32
    %broadcast_in_dim3A_433 = vector.broadcast %jit3A_432 : f32 to vector<32x2048xf32>
    %select_n3A_434 = arith.select %eq3A_431, %broadcast_in_dim3A_433, %get3A_418 : vector<32x2048xi1>, vector<32x2048xf32>
    %swap3A_435 = arith.constant 0 : index
    %swap3A_436 = arith.constant 0 : index
    %swap3A_437 = vector.load %arg5[%swap3A_435, %swap3A_436] : memref<32x2048xf32, #tpu.memory_space<vmem>>, vector<32x2048xf32>
    tpu.vector_store %arg5[%swap3A_435, %swap3A_436], %select_n3A_434 {strides = array<i32>} : memref<32x2048xf32, #tpu.memory_space<vmem>>, vector<32x2048xf32>,
    %get3A_438 = arith.constant 0 : index
    %get3A_439 = arith.constant 0 : index
    %get3A_440 = vector.load %arg5[%get3A_438, %get3A_439] : memref<32x2048xf32, #tpu.memory_space<vmem>>, vector<32x2048xf32>
    %reduce_max3A_441 = arith.constant dense<0xFF800000> : vector<32xf32>
    %reduce_max3A_442 = vector.multi_reduction <maximumf>, %get3A_440, %reduce_max3A_441 [1] : vector<32x2048xf32> to vector<32xf32>
    %broadcast_in_dim3A_443 = vector.shape_cast %reduce_max3A_442 : vector<32xf32> to vector<32x1xf32>
    %eq3A_444 = vector.broadcast %broadcast_in_dim3A_443 : vector<32x1xf32> to vector<32x2048xf32>
    %eq3A_445 = arith.cmpf oeq, %get3A_440, %eq3A_444 : vector<32x2048xf32>
    %jit3A_446 = arith.constant 2048 : i32
    %broadcast_in_dim3A_447 = vector.broadcast %jit3A_446 : i32 to vector<32x2048xi32>
    %select_n3A_448 = arith.select %eq3A_445, %iota3A, %broadcast_in_dim3A_447 : vector<32x2048xi1>, vector<32x2048xi32>
    %reduce_min3A_449 = arith.constant dense<2147483647> : vector<32xi32>
    %reduce_min3A_450 = vector.multi_reduction <minsi>, %select_n3A_448, %reduce_min3A_449 [1] : vector<32x2048xi32> to vector<32xi32>
    %broadcast_in_dim3A_451 = vector.shape_cast %reduce_min3A_450 : vector<32xi32> to vector<32x1xi32>
    %eq3A_452 = vector.broadcast %broadcast_in_dim3A_451 : vector<32x1xi32> to vector<32x2048xi32>
    %eq3A_453 = arith.cmpi eq, %iota3A, %eq3A_452 : vector<32x2048xi32>
    %jit3A_454 = arith.constant 0xFF800000 : f32
    %broadcast_in_dim3A_455 = vector.broadcast %jit3A_454 : f32 to vector<32x2048xf32>
    %select_n3A_456 = arith.select %eq3A_453, %broadcast_in_dim3A_455, %get3A_440 : vector<32x2048xi1>, vector<32x2048xf32>
    %swap3A_457 = arith.constant 0 : index
    %swap3A_458 = arith.constant 0 : index
    %swap3A_459 = vector.load %arg5[%swap3A_457, %swap3A_458] : memref<32x2048xf32, #tpu.memory_space<vmem>>, vector<32x2048xf32>
    tpu.vector_store %arg5[%swap3A_457, %swap3A_458], %select_n3A_456 {strides = array<i32>} : memref<32x2048xf32, #tpu.memory_space<vmem>>, vector<32x2048xf32>,
    %get3A_460 = arith.constant 0 : index
    %get3A_461 = arith.constant 0 : index
    %get3A_462 = vector.load %arg5[%get3A_460, %get3A_461] : memref<32x2048xf32, #tpu.memory_space<vmem>>, vector<32x2048xf32>
    %reduce_max3A_463 = arith.constant dense<0xFF800000> : vector<32xf32>
    %reduce_max3A_464 = vector.multi_reduction <maximumf>, %get3A_462, %reduce_max3A_463 [1] : vector<32x2048xf32> to vector<32xf32>
    %broadcast_in_dim3A_465 = vector.shape_cast %reduce_max3A_464 : vector<32xf32> to vector<32x1xf32>
    %eq3A_466 = vector.broadcast %broadcast_in_dim3A_465 : vector<32x1xf32> to vector<32x2048xf32>
    %eq3A_467 = arith.cmpf oeq, %get3A_462, %eq3A_466 : vector<32x2048xf32>
    %jit3A_468 = arith.constant 2048 : i32
    %broadcast_in_dim3A_469 = vector.broadcast %jit3A_468 : i32 to vector<32x2048xi32>
    %select_n3A_470 = arith.select %eq3A_467, %iota3A, %broadcast_in_dim3A_469 : vector<32x2048xi1>, vector<32x2048xi32>
    %reduce_min3A_471 = arith.constant dense<2147483647> : vector<32xi32>
    %reduce_min3A_472 = vector.multi_reduction <minsi>, %select_n3A_470, %reduce_min3A_471 [1] : vector<32x2048xi32> to vector<32xi32>
    %broadcast_in_dim3A_473 = vector.shape_cast %reduce_min3A_472 : vector<32xi32> to vector<32x1xi32>
    %eq3A_474 = vector.broadcast %broadcast_in_dim3A_473 : vector<32x1xi32> to vector<32x2048xi32>
    %eq3A_475 = arith.cmpi eq, %iota3A, %eq3A_474 : vector<32x2048xi32>
    %jit3A_476 = arith.constant 0xFF800000 : f32
    %broadcast_in_dim3A_477 = vector.broadcast %jit3A_476 : f32 to vector<32x2048xf32>
    %select_n3A_478 = arith.select %eq3A_475, %broadcast_in_dim3A_477, %get3A_462 : vector<32x2048xi1>, vector<32x2048xf32>
    %swap3A_479 = arith.constant 0 : index
    %swap3A_480 = arith.constant 0 : index
    %swap3A_481 = vector.load %arg5[%swap3A_479, %swap3A_480] : memref<32x2048xf32, #tpu.memory_space<vmem>>, vector<32x2048xf32>
    tpu.vector_store %arg5[%swap3A_479, %swap3A_480], %select_n3A_478 {strides = array<i32>} : memref<32x2048xf32, #tpu.memory_space<vmem>>, vector<32x2048xf32>,
    %get3A_482 = arith.constant 0 : index
    %get3A_483 = arith.constant 0 : index
    %get3A_484 = vector.load %arg5[%get3A_482, %get3A_483] : memref<32x2048xf32, #tpu.memory_space<vmem>>, vector<32x2048xf32>
    %reduce_max3A_485 = arith.constant dense<0xFF800000> : vector<32xf32>
    %reduce_max3A_486 = vector.multi_reduction <maximumf>, %get3A_484, %reduce_max3A_485 [1] : vector<32x2048xf32> to vector<32xf32>
    %broadcast_in_dim3A_487 = vector.shape_cast %reduce_max3A_486 : vector<32xf32> to vector<32x1xf32>
    %eq3A_488 = vector.broadcast %broadcast_in_dim3A_487 : vector<32x1xf32> to vector<32x2048xf32>
    %eq3A_489 = arith.cmpf oeq, %get3A_484, %eq3A_488 : vector<32x2048xf32>
    %jit3A_490 = arith.constant 2048 : i32
    %broadcast_in_dim3A_491 = vector.broadcast %jit3A_490 : i32 to vector<32x2048xi32>
    %select_n3A_492 = arith.select %eq3A_489, %iota3A, %broadcast_in_dim3A_491 : vector<32x2048xi1>, vector<32x2048xi32>
    %reduce_min3A_493 = arith.constant dense<2147483647> : vector<32xi32>
    %reduce_min3A_494 = vector.multi_reduction <minsi>, %select_n3A_492, %reduce_min3A_493 [1] : vector<32x2048xi32> to vector<32xi32>
    %broadcast_in_dim3A_495 = vector.shape_cast %reduce_min3A_494 : vector<32xi32> to vector<32x1xi32>
    %eq3A_496 = vector.broadcast %broadcast_in_dim3A_495 : vector<32x1xi32> to vector<32x2048xi32>
    %eq3A_497 = arith.cmpi eq, %iota3A, %eq3A_496 : vector<32x2048xi32>
    %jit3A_498 = arith.constant 0xFF800000 : f32
    %broadcast_in_dim3A_499 = vector.broadcast %jit3A_498 : f32 to vector<32x2048xf32>
    %select_n3A_500 = arith.select %eq3A_497, %broadcast_in_dim3A_499, %get3A_484 : vector<32x2048xi1>, vector<32x2048xf32>
    %swap3A_501 = arith.constant 0 : index
    %swap3A_502 = arith.constant 0 : index
    %swap3A_503 = vector.load %arg5[%swap3A_501, %swap3A_502] : memref<32x2048xf32, #tpu.memory_space<vmem>>, vector<32x2048xf32>
    tpu.vector_store %arg5[%swap3A_501, %swap3A_502], %select_n3A_500 {strides = array<i32>} : memref<32x2048xf32, #tpu.memory_space<vmem>>, vector<32x2048xf32>,
    %get3A_504 = arith.constant 0 : index
    %get3A_505 = arith.constant 0 : index
    %get3A_506 = vector.load %arg5[%get3A_504, %get3A_505] : memref<32x2048xf32, #tpu.memory_space<vmem>>, vector<32x2048xf32>
    %reduce_max3A_507 = arith.constant dense<0xFF800000> : vector<32xf32>
    %reduce_max3A_508 = vector.multi_reduction <maximumf>, %get3A_506, %reduce_max3A_507 [1] : vector<32x2048xf32> to vector<32xf32>
    %broadcast_in_dim3A_509 = vector.shape_cast %reduce_max3A_508 : vector<32xf32> to vector<32x1xf32>
    %eq3A_510 = vector.broadcast %broadcast_in_dim3A_509 : vector<32x1xf32> to vector<32x2048xf32>
    %eq3A_511 = arith.cmpf oeq, %get3A_506, %eq3A_510 : vector<32x2048xf32>
    %jit3A_512 = arith.constant 2048 : i32
    %broadcast_in_dim3A_513 = vector.broadcast %jit3A_512 : i32 to vector<32x2048xi32>
    %select_n3A_514 = arith.select %eq3A_511, %iota3A, %broadcast_in_dim3A_513 : vector<32x2048xi1>, vector<32x2048xi32>
    %reduce_min3A_515 = arith.constant dense<2147483647> : vector<32xi32>
    %reduce_min3A_516 = vector.multi_reduction <minsi>, %select_n3A_514, %reduce_min3A_515 [1] : vector<32x2048xi32> to vector<32xi32>
    %broadcast_in_dim3A_517 = vector.shape_cast %reduce_min3A_516 : vector<32xi32> to vector<32x1xi32>
    %eq3A_518 = vector.broadcast %broadcast_in_dim3A_517 : vector<32x1xi32> to vector<32x2048xi32>
    %eq3A_519 = arith.cmpi eq, %iota3A, %eq3A_518 : vector<32x2048xi32>
    %jit3A_520 = arith.constant 0xFF800000 : f32
    %broadcast_in_dim3A_521 = vector.broadcast %jit3A_520 : f32 to vector<32x2048xf32>
    %select_n3A_522 = arith.select %eq3A_519, %broadcast_in_dim3A_521, %get3A_506 : vector<32x2048xi1>, vector<32x2048xf32>
    %swap3A_523 = arith.constant 0 : index
    %swap3A_524 = arith.constant 0 : index
    %swap3A_525 = vector.load %arg5[%swap3A_523, %swap3A_524] : memref<32x2048xf32, #tpu.memory_space<vmem>>, vector<32x2048xf32>
    tpu.vector_store %arg5[%swap3A_523, %swap3A_524], %select_n3A_522 {strides = array<i32>} : memref<32x2048xf32, #tpu.memory_space<vmem>>, vector<32x2048xf32>,
    %get3A_526 = arith.constant 0 : index
    %get3A_527 = arith.constant 0 : index
    %get3A_528 = vector.load %arg5[%get3A_526, %get3A_527] : memref<32x2048xf32, #tpu.memory_space<vmem>>, vector<32x2048xf32>
    %reduce_max3A_529 = arith.constant dense<0xFF800000> : vector<32xf32>
    %reduce_max3A_530 = vector.multi_reduction <maximumf>, %get3A_528, %reduce_max3A_529 [1] : vector<32x2048xf32> to vector<32xf32>
    %broadcast_in_dim3A_531 = vector.shape_cast %reduce_max3A_530 : vector<32xf32> to vector<32x1xf32>
    %eq3A_532 = vector.broadcast %broadcast_in_dim3A_531 : vector<32x1xf32> to vector<32x2048xf32>
    %eq3A_533 = arith.cmpf oeq, %get3A_528, %eq3A_532 : vector<32x2048xf32>
    %jit3A_534 = arith.constant 2048 : i32
    %broadcast_in_dim3A_535 = vector.broadcast %jit3A_534 : i32 to vector<32x2048xi32>
    %select_n3A_536 = arith.select %eq3A_533, %iota3A, %broadcast_in_dim3A_535 : vector<32x2048xi1>, vector<32x2048xi32>
    %reduce_min3A_537 = arith.constant dense<2147483647> : vector<32xi32>
    %reduce_min3A_538 = vector.multi_reduction <minsi>, %select_n3A_536, %reduce_min3A_537 [1] : vector<32x2048xi32> to vector<32xi32>
    %broadcast_in_dim3A_539 = vector.shape_cast %reduce_min3A_538 : vector<32xi32> to vector<32x1xi32>
    %eq3A_540 = vector.broadcast %broadcast_in_dim3A_539 : vector<32x1xi32> to vector<32x2048xi32>
    %eq3A_541 = arith.cmpi eq, %iota3A, %eq3A_540 : vector<32x2048xi32>
    %jit3A_542 = arith.constant 0xFF800000 : f32
    %broadcast_in_dim3A_543 = vector.broadcast %jit3A_542 : f32 to vector<32x2048xf32>
    %select_n3A_544 = arith.select %eq3A_541, %broadcast_in_dim3A_543, %get3A_528 : vector<32x2048xi1>, vector<32x2048xf32>
    %swap3A_545 = arith.constant 0 : index
    %swap3A_546 = arith.constant 0 : index
    %swap3A_547 = vector.load %arg5[%swap3A_545, %swap3A_546] : memref<32x2048xf32, #tpu.memory_space<vmem>>, vector<32x2048xf32>
    tpu.vector_store %arg5[%swap3A_545, %swap3A_546], %select_n3A_544 {strides = array<i32>} : memref<32x2048xf32, #tpu.memory_space<vmem>>, vector<32x2048xf32>,
    %get3A_548 = arith.constant 0 : index
    %get3A_549 = arith.constant 0 : index
    %get3A_550 = vector.load %arg5[%get3A_548, %get3A_549] : memref<32x2048xf32, #tpu.memory_space<vmem>>, vector<32x2048xf32>
    %reduce_max3A_551 = arith.constant dense<0xFF800000> : vector<32xf32>
    %reduce_max3A_552 = vector.multi_reduction <maximumf>, %get3A_550, %reduce_max3A_551 [1] : vector<32x2048xf32> to vector<32xf32>
    %broadcast_in_dim3A_553 = vector.shape_cast %reduce_max3A_552 : vector<32xf32> to vector<32x1xf32>
    %eq3A_554 = vector.broadcast %broadcast_in_dim3A_553 : vector<32x1xf32> to vector<32x2048xf32>
    %eq3A_555 = arith.cmpf oeq, %get3A_550, %eq3A_554 : vector<32x2048xf32>
    %jit3A_556 = arith.constant 2048 : i32
    %broadcast_in_dim3A_557 = vector.broadcast %jit3A_556 : i32 to vector<32x2048xi32>
    %select_n3A_558 = arith.select %eq3A_555, %iota3A, %broadcast_in_dim3A_557 : vector<32x2048xi1>, vector<32x2048xi32>
    %reduce_min3A_559 = arith.constant dense<2147483647> : vector<32xi32>
    %reduce_min3A_560 = vector.multi_reduction <minsi>, %select_n3A_558, %reduce_min3A_559 [1] : vector<32x2048xi32> to vector<32xi32>
    %broadcast_in_dim3A_561 = vector.shape_cast %reduce_min3A_560 : vector<32xi32> to vector<32x1xi32>
    %eq3A_562 = vector.broadcast %broadcast_in_dim3A_561 : vector<32x1xi32> to vector<32x2048xi32>
    %eq3A_563 = arith.cmpi eq, %iota3A, %eq3A_562 : vector<32x2048xi32>
    %jit3A_564 = arith.constant 0xFF800000 : f32
    %broadcast_in_dim3A_565 = vector.broadcast %jit3A_564 : f32 to vector<32x2048xf32>
    %select_n3A_566 = arith.select %eq3A_563, %broadcast_in_dim3A_565, %get3A_550 : vector<32x2048xi1>, vector<32x2048xf32>
    %swap3A_567 = arith.constant 0 : index
    %swap3A_568 = arith.constant 0 : index
    %swap3A_569 = vector.load %arg5[%swap3A_567, %swap3A_568] : memref<32x2048xf32, #tpu.memory_space<vmem>>, vector<32x2048xf32>
    tpu.vector_store %arg5[%swap3A_567, %swap3A_568], %select_n3A_566 {strides = array<i32>} : memref<32x2048xf32, #tpu.memory_space<vmem>>, vector<32x2048xf32>,
    %get3A_570 = arith.constant 0 : index
    %get3A_571 = arith.constant 0 : index
    %get3A_572 = vector.load %arg5[%get3A_570, %get3A_571] : memref<32x2048xf32, #tpu.memory_space<vmem>>, vector<32x2048xf32>
    %reduce_max3A_573 = arith.constant dense<0xFF800000> : vector<32xf32>
    %reduce_max3A_574 = vector.multi_reduction <maximumf>, %get3A_572, %reduce_max3A_573 [1] : vector<32x2048xf32> to vector<32xf32>
    %broadcast_in_dim3A_575 = vector.shape_cast %reduce_max3A_574 : vector<32xf32> to vector<32x1xf32>
    %eq3A_576 = vector.broadcast %broadcast_in_dim3A_575 : vector<32x1xf32> to vector<32x2048xf32>
    %eq3A_577 = arith.cmpf oeq, %get3A_572, %eq3A_576 : vector<32x2048xf32>
    %jit3A_578 = arith.constant 2048 : i32
    %broadcast_in_dim3A_579 = vector.broadcast %jit3A_578 : i32 to vector<32x2048xi32>
    %select_n3A_580 = arith.select %eq3A_577, %iota3A, %broadcast_in_dim3A_579 : vector<32x2048xi1>, vector<32x2048xi32>
    %reduce_min3A_581 = arith.constant dense<2147483647> : vector<32xi32>
    %reduce_min3A_582 = vector.multi_reduction <minsi>, %select_n3A_580, %reduce_min3A_581 [1] : vector<32x2048xi32> to vector<32xi32>
    %broadcast_in_dim3A_583 = vector.shape_cast %reduce_min3A_582 : vector<32xi32> to vector<32x1xi32>
    %eq3A_584 = vector.broadcast %broadcast_in_dim3A_583 : vector<32x1xi32> to vector<32x2048xi32>
    %eq3A_585 = arith.cmpi eq, %iota3A, %eq3A_584 : vector<32x2048xi32>
    %jit3A_586 = arith.constant 0xFF800000 : f32
    %broadcast_in_dim3A_587 = vector.broadcast %jit3A_586 : f32 to vector<32x2048xf32>
    %select_n3A_588 = arith.select %eq3A_585, %broadcast_in_dim3A_587, %get3A_572 : vector<32x2048xi1>, vector<32x2048xf32>
    %swap3A_589 = arith.constant 0 : index
    %swap3A_590 = arith.constant 0 : index
    %swap3A_591 = vector.load %arg5[%swap3A_589, %swap3A_590] : memref<32x2048xf32, #tpu.memory_space<vmem>>, vector<32x2048xf32>
    tpu.vector_store %arg5[%swap3A_589, %swap3A_590], %select_n3A_588 {strides = array<i32>} : memref<32x2048xf32, #tpu.memory_space<vmem>>, vector<32x2048xf32>,
    %get3A_592 = arith.constant 0 : index
    %get3A_593 = arith.constant 0 : index
    %get3A_594 = vector.load %arg5[%get3A_592, %get3A_593] : memref<32x2048xf32, #tpu.memory_space<vmem>>, vector<32x2048xf32>
    %reduce_max3A_595 = arith.constant dense<0xFF800000> : vector<32xf32>
    %reduce_max3A_596 = vector.multi_reduction <maximumf>, %get3A_594, %reduce_max3A_595 [1] : vector<32x2048xf32> to vector<32xf32>
    %broadcast_in_dim3A_597 = vector.shape_cast %reduce_max3A_596 : vector<32xf32> to vector<32x1xf32>
    %eq3A_598 = vector.broadcast %broadcast_in_dim3A_597 : vector<32x1xf32> to vector<32x2048xf32>
    %eq3A_599 = arith.cmpf oeq, %get3A_594, %eq3A_598 : vector<32x2048xf32>
    %jit3A_600 = arith.constant 2048 : i32
    %broadcast_in_dim3A_601 = vector.broadcast %jit3A_600 : i32 to vector<32x2048xi32>
    %select_n3A_602 = arith.select %eq3A_599, %iota3A, %broadcast_in_dim3A_601 : vector<32x2048xi1>, vector<32x2048xi32>
    %reduce_min3A_603 = arith.constant dense<2147483647> : vector<32xi32>
    %reduce_min3A_604 = vector.multi_reduction <minsi>, %select_n3A_602, %reduce_min3A_603 [1] : vector<32x2048xi32> to vector<32xi32>
    %broadcast_in_dim3A_605 = vector.shape_cast %reduce_min3A_604 : vector<32xi32> to vector<32x1xi32>
    %eq3A_606 = vector.broadcast %broadcast_in_dim3A_605 : vector<32x1xi32> to vector<32x2048xi32>
    %eq3A_607 = arith.cmpi eq, %iota3A, %eq3A_606 : vector<32x2048xi32>
    %jit3A_608 = arith.constant 0xFF800000 : f32
    %broadcast_in_dim3A_609 = vector.broadcast %jit3A_608 : f32 to vector<32x2048xf32>
    %select_n3A_610 = arith.select %eq3A_607, %broadcast_in_dim3A_609, %get3A_594 : vector<32x2048xi1>, vector<32x2048xf32>
    %swap3A_611 = arith.constant 0 : index
    %swap3A_612 = arith.constant 0 : index
    %swap3A_613 = vector.load %arg5[%swap3A_611, %swap3A_612] : memref<32x2048xf32, #tpu.memory_space<vmem>>, vector<32x2048xf32>
    tpu.vector_store %arg5[%swap3A_611, %swap3A_612], %select_n3A_610 {strides = array<i32>} : memref<32x2048xf32, #tpu.memory_space<vmem>>, vector<32x2048xf32>,
    %get3A_614 = arith.constant 0 : index
    %get3A_615 = arith.constant 0 : index
    %get3A_616 = vector.load %arg5[%get3A_614, %get3A_615] : memref<32x2048xf32, #tpu.memory_space<vmem>>, vector<32x2048xf32>
    %reduce_max3A_617 = arith.constant dense<0xFF800000> : vector<32xf32>
    %reduce_max3A_618 = vector.multi_reduction <maximumf>, %get3A_616, %reduce_max3A_617 [1] : vector<32x2048xf32> to vector<32xf32>
    %broadcast_in_dim3A_619 = vector.shape_cast %reduce_max3A_618 : vector<32xf32> to vector<32x1xf32>
    %eq3A_620 = vector.broadcast %broadcast_in_dim3A_619 : vector<32x1xf32> to vector<32x2048xf32>
    %eq3A_621 = arith.cmpf oeq, %get3A_616, %eq3A_620 : vector<32x2048xf32>
    %jit3A_622 = arith.constant 2048 : i32
    %broadcast_in_dim3A_623 = vector.broadcast %jit3A_622 : i32 to vector<32x2048xi32>
    %select_n3A_624 = arith.select %eq3A_621, %iota3A, %broadcast_in_dim3A_623 : vector<32x2048xi1>, vector<32x2048xi32>
    %reduce_min3A_625 = arith.constant dense<2147483647> : vector<32xi32>
    %reduce_min3A_626 = vector.multi_reduction <minsi>, %select_n3A_624, %reduce_min3A_625 [1] : vector<32x2048xi32> to vector<32xi32>
    %broadcast_in_dim3A_627 = vector.shape_cast %reduce_min3A_626 : vector<32xi32> to vector<32x1xi32>
    %eq3A_628 = vector.broadcast %broadcast_in_dim3A_627 : vector<32x1xi32> to vector<32x2048xi32>
    %eq3A_629 = arith.cmpi eq, %iota3A, %eq3A_628 : vector<32x2048xi32>
    %jit3A_630 = arith.constant 0xFF800000 : f32
    %broadcast_in_dim3A_631 = vector.broadcast %jit3A_630 : f32 to vector<32x2048xf32>
    %select_n3A_632 = arith.select %eq3A_629, %broadcast_in_dim3A_631, %get3A_616 : vector<32x2048xi1>, vector<32x2048xf32>
    %swap3A_633 = arith.constant 0 : index
    %swap3A_634 = arith.constant 0 : index
    %swap3A_635 = vector.load %arg5[%swap3A_633, %swap3A_634] : memref<32x2048xf32, #tpu.memory_space<vmem>>, vector<32x2048xf32>
    tpu.vector_store %arg5[%swap3A_633, %swap3A_634], %select_n3A_632 {strides = array<i32>} : memref<32x2048xf32, #tpu.memory_space<vmem>>, vector<32x2048xf32>,
    %get3A_636 = arith.constant 0 : index
    %get3A_637 = arith.constant 0 : index
    %get3A_638 = vector.load %arg5[%get3A_636, %get3A_637] : memref<32x2048xf32, #tpu.memory_space<vmem>>, vector<32x2048xf32>
    %reduce_max3A_639 = arith.constant dense<0xFF800000> : vector<32xf32>
    %reduce_max3A_640 = vector.multi_reduction <maximumf>, %get3A_638, %reduce_max3A_639 [1] : vector<32x2048xf32> to vector<32xf32>
    %broadcast_in_dim3A_641 = vector.shape_cast %reduce_max3A_640 : vector<32xf32> to vector<32x1xf32>
    %eq3A_642 = vector.broadcast %broadcast_in_dim3A_641 : vector<32x1xf32> to vector<32x2048xf32>
    %eq3A_643 = arith.cmpf oeq, %get3A_638, %eq3A_642 : vector<32x2048xf32>
    %jit3A_644 = arith.constant 2048 : i32
    %broadcast_in_dim3A_645 = vector.broadcast %jit3A_644 : i32 to vector<32x2048xi32>
    %select_n3A_646 = arith.select %eq3A_643, %iota3A, %broadcast_in_dim3A_645 : vector<32x2048xi1>, vector<32x2048xi32>
    %reduce_min3A_647 = arith.constant dense<2147483647> : vector<32xi32>
    %reduce_min3A_648 = vector.multi_reduction <minsi>, %select_n3A_646, %reduce_min3A_647 [1] : vector<32x2048xi32> to vector<32xi32>
    %broadcast_in_dim3A_649 = vector.shape_cast %reduce_min3A_648 : vector<32xi32> to vector<32x1xi32>
    %eq3A_650 = vector.broadcast %broadcast_in_dim3A_649 : vector<32x1xi32> to vector<32x2048xi32>
    %eq3A_651 = arith.cmpi eq, %iota3A, %eq3A_650 : vector<32x2048xi32>
    %jit3A_652 = arith.constant 0xFF800000 : f32
    %broadcast_in_dim3A_653 = vector.broadcast %jit3A_652 : f32 to vector<32x2048xf32>
    %select_n3A_654 = arith.select %eq3A_651, %broadcast_in_dim3A_653, %get3A_638 : vector<32x2048xi1>, vector<32x2048xf32>
    %swap3A_655 = arith.constant 0 : index
    %swap3A_656 = arith.constant 0 : index
    %swap3A_657 = vector.load %arg5[%swap3A_655, %swap3A_656] : memref<32x2048xf32, #tpu.memory_space<vmem>>, vector<32x2048xf32>
    tpu.vector_store %arg5[%swap3A_655, %swap3A_656], %select_n3A_654 {strides = array<i32>} : memref<32x2048xf32, #tpu.memory_space<vmem>>, vector<32x2048xf32>,
    %get3A_658 = arith.constant 0 : index
    %get3A_659 = arith.constant 0 : index
    %get3A_660 = vector.load %arg5[%get3A_658, %get3A_659] : memref<32x2048xf32, #tpu.memory_space<vmem>>, vector<32x2048xf32>
    %reduce_max3A_661 = arith.constant dense<0xFF800000> : vector<32xf32>
    %reduce_max3A_662 = vector.multi_reduction <maximumf>, %get3A_660, %reduce_max3A_661 [1] : vector<32x2048xf32> to vector<32xf32>
    %broadcast_in_dim3A_663 = vector.shape_cast %reduce_max3A_662 : vector<32xf32> to vector<32x1xf32>
    %eq3A_664 = vector.broadcast %broadcast_in_dim3A_663 : vector<32x1xf32> to vector<32x2048xf32>
    %eq3A_665 = arith.cmpf oeq, %get3A_660, %eq3A_664 : vector<32x2048xf32>
    %jit3A_666 = arith.constant 2048 : i32
    %broadcast_in_dim3A_667 = vector.broadcast %jit3A_666 : i32 to vector<32x2048xi32>
    %select_n3A_668 = arith.select %eq3A_665, %iota3A, %broadcast_in_dim3A_667 : vector<32x2048xi1>, vector<32x2048xi32>
    %reduce_min3A_669 = arith.constant dense<2147483647> : vector<32xi32>
    %reduce_min3A_670 = vector.multi_reduction <minsi>, %select_n3A_668, %reduce_min3A_669 [1] : vector<32x2048xi32> to vector<32xi32>
    %broadcast_in_dim3A_671 = vector.shape_cast %reduce_min3A_670 : vector<32xi32> to vector<32x1xi32>
    %eq3A_672 = vector.broadcast %broadcast_in_dim3A_671 : vector<32x1xi32> to vector<32x2048xi32>
    %eq3A_673 = arith.cmpi eq, %iota3A, %eq3A_672 : vector<32x2048xi32>
    %jit3A_674 = arith.constant 0xFF800000 : f32
    %broadcast_in_dim3A_675 = vector.broadcast %jit3A_674 : f32 to vector<32x2048xf32>
    %select_n3A_676 = arith.select %eq3A_673, %broadcast_in_dim3A_675, %get3A_660 : vector<32x2048xi1>, vector<32x2048xf32>
    %swap3A_677 = arith.constant 0 : index
    %swap3A_678 = arith.constant 0 : index
    %swap3A_679 = vector.load %arg5[%swap3A_677, %swap3A_678] : memref<32x2048xf32, #tpu.memory_space<vmem>>, vector<32x2048xf32>
    tpu.vector_store %arg5[%swap3A_677, %swap3A_678], %select_n3A_676 {strides = array<i32>} : memref<32x2048xf32, #tpu.memory_space<vmem>>, vector<32x2048xf32>,
    %get3A_680 = arith.constant 0 : index
    %get3A_681 = arith.constant 0 : index
    %get3A_682 = vector.load %arg5[%get3A_680, %get3A_681] : memref<32x2048xf32, #tpu.memory_space<vmem>>, vector<32x2048xf32>
    %reduce_max3A_683 = arith.constant dense<0xFF800000> : vector<32xf32>
    %reduce_max3A_684 = vector.multi_reduction <maximumf>, %get3A_682, %reduce_max3A_683 [1] : vector<32x2048xf32> to vector<32xf32>
    %broadcast_in_dim3A_685 = vector.shape_cast %reduce_max3A_684 : vector<32xf32> to vector<32x1xf32>
    %eq3A_686 = vector.broadcast %broadcast_in_dim3A_685 : vector<32x1xf32> to vector<32x2048xf32>
    %eq3A_687 = arith.cmpf oeq, %get3A_682, %eq3A_686 : vector<32x2048xf32>
    %jit3A_688 = arith.constant 2048 : i32
    %broadcast_in_dim3A_689 = vector.broadcast %jit3A_688 : i32 to vector<32x2048xi32>
    %select_n3A_690 = arith.select %eq3A_687, %iota3A, %broadcast_in_dim3A_689 : vector<32x2048xi1>, vector<32x2048xi32>
    %reduce_min3A_691 = arith.constant dense<2147483647> : vector<32xi32>
    %reduce_min3A_692 = vector.multi_reduction <minsi>, %select_n3A_690, %reduce_min3A_691 [1] : vector<32x2048xi32> to vector<32xi32>
    %broadcast_in_dim3A_693 = vector.shape_cast %reduce_min3A_692 : vector<32xi32> to vector<32x1xi32>
    %eq3A_694 = vector.broadcast %broadcast_in_dim3A_693 : vector<32x1xi32> to vector<32x2048xi32>
    %eq3A_695 = arith.cmpi eq, %iota3A, %eq3A_694 : vector<32x2048xi32>
    %jit3A_696 = arith.constant 0xFF800000 : f32
    %broadcast_in_dim3A_697 = vector.broadcast %jit3A_696 : f32 to vector<32x2048xf32>
    %select_n3A_698 = arith.select %eq3A_695, %broadcast_in_dim3A_697, %get3A_682 : vector<32x2048xi1>, vector<32x2048xf32>
    %swap3A_699 = arith.constant 0 : index
    %swap3A_700 = arith.constant 0 : index
    %swap3A_701 = vector.load %arg5[%swap3A_699, %swap3A_700] : memref<32x2048xf32, #tpu.memory_space<vmem>>, vector<32x2048xf32>
    tpu.vector_store %arg5[%swap3A_699, %swap3A_700], %select_n3A_698 {strides = array<i32>} : memref<32x2048xf32, #tpu.memory_space<vmem>>, vector<32x2048xf32>,
    %get3A_702 = arith.constant 0 : index
    %get3A_703 = arith.constant 0 : index
    %get3A_704 = vector.load %arg5[%get3A_702, %get3A_703] : memref<32x2048xf32, #tpu.memory_space<vmem>>, vector<32x2048xf32>
    %reduce_max3A_705 = arith.constant dense<0xFF800000> : vector<32xf32>
    %reduce_max3A_706 = vector.multi_reduction <maximumf>, %get3A_704, %reduce_max3A_705 [1] : vector<32x2048xf32> to vector<32xf32>
    %broadcast_in_dim3A_707 = vector.shape_cast %reduce_max3A_706 : vector<32xf32> to vector<32x1xf32>
    %eq3A_708 = vector.broadcast %broadcast_in_dim3A_707 : vector<32x1xf32> to vector<32x2048xf32>
    %eq3A_709 = arith.cmpf oeq, %get3A_704, %eq3A_708 : vector<32x2048xf32>
    %jit3A_710 = arith.constant 2048 : i32
    %broadcast_in_dim3A_711 = vector.broadcast %jit3A_710 : i32 to vector<32x2048xi32>
    %select_n3A_712 = arith.select %eq3A_709, %iota3A, %broadcast_in_dim3A_711 : vector<32x2048xi1>, vector<32x2048xi32>
    %reduce_min3A_713 = arith.constant dense<2147483647> : vector<32xi32>
    %reduce_min3A_714 = vector.multi_reduction <minsi>, %select_n3A_712, %reduce_min3A_713 [1] : vector<32x2048xi32> to vector<32xi32>
    %broadcast_in_dim3A_715 = vector.shape_cast %reduce_min3A_714 : vector<32xi32> to vector<32x1xi32>
    %eq3A_716 = vector.broadcast %broadcast_in_dim3A_715 : vector<32x1xi32> to vector<32x2048xi32>
    %eq3A_717 = arith.cmpi eq, %iota3A, %eq3A_716 : vector<32x2048xi32>
    %jit3A_718 = arith.constant 0xFF800000 : f32
    %broadcast_in_dim3A_719 = vector.broadcast %jit3A_718 : f32 to vector<32x2048xf32>
    %select_n3A_720 = arith.select %eq3A_717, %broadcast_in_dim3A_719, %get3A_704 : vector<32x2048xi1>, vector<32x2048xf32>
    %swap3A_721 = arith.constant 0 : index
    %swap3A_722 = arith.constant 0 : index
    %swap3A_723 = vector.load %arg5[%swap3A_721, %swap3A_722] : memref<32x2048xf32, #tpu.memory_space<vmem>>, vector<32x2048xf32>
    tpu.vector_store %arg5[%swap3A_721, %swap3A_722], %select_n3A_720 {strides = array<i32>} : memref<32x2048xf32, #tpu.memory_space<vmem>>, vector<32x2048xf32>,
    %concatenate3A = tpu.concatenate %broadcast_in_dim3A_33, %broadcast_in_dim3A_55, %broadcast_in_dim3A_77, %broadcast_in_dim3A_99, %broadcast_in_dim3A_121, %broadcast_in_dim3A_143, %broadcast_in_dim3A_165, %broadcast_in_dim3A_187, %broadcast_in_dim3A_209, %broadcast_in_dim3A_231, %broadcast_in_dim3A_253, %broadcast_in_dim3A_275, %broadcast_in_dim3A_297, %broadcast_in_dim3A_319, %broadcast_in_dim3A_341, %broadcast_in_dim3A_363, %broadcast_in_dim3A_385, %broadcast_in_dim3A_407, %broadcast_in_dim3A_429, %broadcast_in_dim3A_451, %broadcast_in_dim3A_473, %broadcast_in_dim3A_495, %broadcast_in_dim3A_517, %broadcast_in_dim3A_539, %broadcast_in_dim3A_561, %broadcast_in_dim3A_583, %broadcast_in_dim3A_605, %broadcast_in_dim3A_627, %broadcast_in_dim3A_649, %broadcast_in_dim3A_671, %broadcast_in_dim3A_693, %broadcast_in_dim3A_715 in 1 : vector<32x1xi32>, vector<32x1xi32>, vector<32x1xi32>, vector<32x1xi32>, vector<32x1xi32>, vector<32x1xi32>, vector<32x1xi32>, vector<32x1xi32>, vector<32x1xi32>, vector<32x1xi32>, vector<32x1xi32>, vector<32x1xi32>, vector<32x1xi32>, vector<32x1xi32>, vector<32x1xi32>, vector<32x1xi32>, vector<32x1xi32>, vector<32x1xi32>, vector<32x1xi32>, vector<32x1xi32>, vector<32x1xi32>, vector<32x1xi32>, vector<32x1xi32>, vector<32x1xi32>, vector<32x1xi32>, vector<32x1xi32>, vector<32x1xi32>, vector<32x1xi32>, vector<32x1xi32>, vector<32x1xi32>, vector<32x1xi32>, vector<32x1xi32> -> vector<32x32xi32>
    %add3A = vector.broadcast %mul3A_24 : i32 to vector<32x32xi32>
    %add3A_724 = arith.addi %concatenate3A, %add3A : vector<32x32xi32>
    %swap3A_725 = arith.constant 0 : index
    %swap3A_726 = arith.constant 0 : index
    %swap3A_727 = vector.load %arg4[%swap3A_725, %swap3A_726] : memref<32x32xi32, #tpu.memory_space<vmem>>, vector<32x32xi32>
    tpu.vector_store %arg4[%swap3A_725, %swap3A_726], %add3A_724 {strides = array<i32>} : memref<32x32xi32, #tpu.memory_space<vmem>>, vector<32x32xi32>,
    return
  }
  func.func @transform_0(%arg0: i32, %arg1: i32) -> (i32, i32) {
    %mul3A = arith.constant 64 : i32
    %mul3A_0 = arith.muli %arg0, %mul3A : i32
    %add3A = arith.addi %mul3A_0, %arg1 : i32
    %c0_i32 = arith.constant 0 : i32
    %c0_i32_1 = arith.constant 0 : i32
    return %add3A, %c0_i32 : i32, i32
  }
  func.func @transform_1(%arg0: i32, %arg1: i32) -> (i32, i32, i32) {
    %c0_i32 = arith.constant 0 : i32
    %c0_i32_0 = arith.constant 0 : i32
    %c0_i32_1 = arith.constant 0 : i32
    return %arg0, %c0_i32, %c0_i32_0 : i32, i32, i32
  }
  func.func @transform_2(%arg0: i32, %arg1: i32) -> (i32, i32) {
    %mul3A = arith.constant 64 : i32
    %mul3A_0 = arith.muli %arg0, %mul3A : i32
    %add3A = arith.addi %mul3A_0, %arg1 : i32
    %c0_i32 = arith.constant 0 : i32
    %c0_i32_1 = arith.constant 0 : i32
    return %add3A, %c0_i32 : i32, i32
  }
}

module attributes {stable_mosaic.version = 14 : i64} {
  func.func @_feat_body(%arg0: i32, %arg1: memref<512x8xf32, #tpu.memory_space<vmem>>, %arg2: memref<512x8xf32, #tpu.memory_space<vmem>>) attributes {dimension_semantics = [#tpu.dimension_semantics<arbitrary>], iteration_bounds = array<i64: 16>, scalar_prefetch = 0 : i64, scratch_operands = 0 : i64, tpu.core_type = #tpu.core_type<tc>, window_params = [{transform_indices = @transform_0, window_bounds = array<i64: 512, 8>}, {transform_indices = @transform_1, window_bounds = array<i64: 512, 8>}]} {
    %get3A = arith.constant 0 : index
    %get3A_0 = arith.constant 0 : index
    %get3A_1 = vector.load %arg1[%get3A, %get3A_0] : memref<512x8xf32, #tpu.memory_space<vmem>>, vector<512x1xf32>
    %max3A = arith.constant 9.99999993E-9 : f32
    %max3A_2 = vector.broadcast %max3A : f32 to vector<512x1xf32>
    %max3A_3 = arith.maximumf %get3A_1, %max3A_2 : vector<512x1xf32>
    %get3A_4 = arith.constant 0 : index
    %get3A_5 = arith.constant 1 : index
    %get3A_6 = vector.load %arg1[%get3A_4, %get3A_5] : memref<512x8xf32, #tpu.memory_space<vmem>>, vector<512x1xf32>
    %max3A_7 = arith.constant 9.99999993E-9 : f32
    %max3A_8 = vector.broadcast %max3A_7 : f32 to vector<512x1xf32>
    %max3A_9 = arith.maximumf %get3A_6, %max3A_8 : vector<512x1xf32>
    %get3A_10 = arith.constant 0 : index
    %get3A_11 = arith.constant 2 : index
    %get3A_12 = vector.load %arg1[%get3A_10, %get3A_11] : memref<512x8xf32, #tpu.memory_space<vmem>>, vector<512x1xf32>
    %max3A_13 = arith.constant 9.99999993E-9 : f32
    %max3A_14 = vector.broadcast %max3A_13 : f32 to vector<512x1xf32>
    %max3A_15 = arith.maximumf %get3A_12, %max3A_14 : vector<512x1xf32>
    %add3A = arith.addf %max3A_15, %max3A_9 : vector<512x1xf32>
    %add3A_16 = arith.addf %add3A, %max3A_3 : vector<512x1xf32>
    %sub3A = arith.subf %max3A_15, %max3A_9 : vector<512x1xf32>
    %div3A = arith.divf %sub3A, %max3A_15 : vector<512x1xf32>
    %sub3A_17 = arith.subf %max3A_9, %max3A_3 : vector<512x1xf32>
    %div3A_18 = arith.divf %sub3A_17, %max3A_15 : vector<512x1xf32>
    %div3A_19 = arith.divf %max3A_3, %max3A_15 : vector<512x1xf32>
    %div3A_20 = arith.divf %max3A_3, %add3A_16 : vector<512x1xf32>
    %sub3A_21 = arith.subf %max3A_15, %max3A_3 : vector<512x1xf32>
    %div3A_22 = arith.divf %sub3A_21, %max3A_15 : vector<512x1xf32>
    %broadcast_in_dim3A = arith.constant 0.000000e+00 : f32
    %broadcast_in_dim3A_23 = vector.broadcast %broadcast_in_dim3A : f32 to vector<512x1xf32>
    %broadcast_in_dim3A_24 = arith.constant 0.000000e+00 : f32
    %broadcast_in_dim3A_25 = vector.broadcast %broadcast_in_dim3A_24 : f32 to vector<512x1xf32>
    %broadcast_in_dim3A_26 = arith.constant 0.000000e+00 : f32
    %broadcast_in_dim3A_27 = vector.broadcast %broadcast_in_dim3A_26 : f32 to vector<512x1xf32>
    %concatenate3A = tpu.concatenate %div3A, %div3A_18, %div3A_19, %div3A_20, %div3A_22, %broadcast_in_dim3A_23, %broadcast_in_dim3A_25, %broadcast_in_dim3A_27 in 1 : vector<512x1xf32>, vector<512x1xf32>, vector<512x1xf32>, vector<512x1xf32>, vector<512x1xf32>, vector<512x1xf32>, vector<512x1xf32>, vector<512x1xf32> -> vector<512x8xf32>
    %swap3A = arith.constant 0 : index
    %swap3A_28 = arith.constant 0 : index
    %swap3A_29 = vector.load %arg2[%swap3A, %swap3A_28] : memref<512x8xf32, #tpu.memory_space<vmem>>, vector<512x8xf32>
    tpu.vector_store %arg2[%swap3A, %swap3A_28], %concatenate3A {strides = array<i32>} : memref<512x8xf32, #tpu.memory_space<vmem>>, vector<512x8xf32>,
    return
  }
  func.func @transform_0(%arg0: i32) -> (i32, i32) {
    %c0_i32 = arith.constant 0 : i32
    %c0_i32_0 = arith.constant 0 : i32
    return %arg0, %c0_i32 : i32, i32
  }
  func.func @transform_1(%arg0: i32) -> (i32, i32) {
    %c0_i32 = arith.constant 0 : i32
    %c0_i32_0 = arith.constant 0 : i32
    return %arg0, %c0_i32 : i32, i32
  }
}

module attributes {stable_mosaic.version = 14 : i64} {
  func.func @_s1_body(%arg0: i32, %arg1: memref<512x8xf32, #tpu.memory_space<vmem>>, %arg2: memref<8x16xf32, #tpu.memory_space<vmem>>, %arg3: memref<512x16xf32, #tpu.memory_space<vmem>>, %arg4: memref<8x16xf32, #tpu.memory_space<vmem>>) attributes {dimension_semantics = [#tpu.dimension_semantics<arbitrary>], iteration_bounds = array<i64: 16>, scalar_prefetch = 0 : i64, scratch_operands = 0 : i64, tpu.core_type = #tpu.core_type<tc>, window_params = [{transform_indices = @transform_0, window_bounds = array<i64: 512, 8>}, {pipeline_mode = #tpu.pipeline_mode<synchronous>, transform_indices = @transform_1, window_bounds = array<i64: 8, 16>}, {transform_indices = @transform_2, window_bounds = array<i64: 512, 16>}, {pipeline_mode = #tpu.pipeline_mode<synchronous>, transform_indices = @transform_3, window_bounds = array<i64: 8, 16>}]} {
    %get3A = arith.constant 0 : index
    %get3A_0 = arith.constant 0 : index
    %get3A_1 = vector.load %arg1[%get3A, %get3A_0] : memref<512x8xf32, #tpu.memory_space<vmem>>, vector<512x8xf32>
    %convert_element_type3A = arith.truncf %get3A_1 : vector<512x8xf32> to vector<512x8xbf16>
    %convert_element_type3A_2 = arith.extf %convert_element_type3A : vector<512x8xbf16> to vector<512x8xf32>
    %get3A_3 = arith.constant 0 : index
    %get3A_4 = arith.constant 0 : index
    %get3A_5 = vector.load %arg2[%get3A_3, %get3A_4] : memref<8x16xf32, #tpu.memory_space<vmem>>, vector<8x16xf32>
    %dot_general3A = arith.constant dense<0.000000e+00> : vector<512x16xf32>
    %dot_general3A_6 = tpu.matmul %convert_element_type3A_2, %get3A_5, %dot_general3A {dimension_numbers = #tpu.dot_dimension_numbers<[1], [0], [0], [1], [0, 0, 1, 1], [], []>, transpose_lhs_hint = false} : vector<512x8xf32>, vector<8x16xf32>, vector<512x16xf32> -> vector<512x16xf32>
    %swap3A = arith.constant 0 : index
    %swap3A_7 = arith.constant 0 : index
    %swap3A_8 = vector.load %arg3[%swap3A, %swap3A_7] : memref<512x16xf32, #tpu.memory_space<vmem>>, vector<512x16xf32>
    tpu.vector_store %arg3[%swap3A, %swap3A_7], %dot_general3A_6 {strides = array<i32>} : memref<512x16xf32, #tpu.memory_space<vmem>>, vector<512x16xf32>,
    %eq3A = arith.constant 0 : i32
    %eq3A_9 = arith.cmpi eq, %arg0, %eq3A : i32
    %convert_element_type3A_10 = arith.extui %eq3A_9 : i1 to i32
    %cond3A = arith.constant 0 : i32
    %cond3A_11 = arith.cmpi ne, %convert_element_type3A_10, %cond3A : i32
    scf.if %cond3A_11 {
      %broadcast_in_dim3A_29 = arith.constant 0.000000e+00 : f32
      %broadcast_in_dim3A_30 = vector.broadcast %broadcast_in_dim3A_29 : f32 to vector<8x16xf32>
      %swap3A_31 = arith.constant 0 : index
      %swap3A_32 = arith.constant 0 : index
      %swap3A_33 = vector.load %arg4[%swap3A_31, %swap3A_32] : memref<8x16xf32, #tpu.memory_space<vmem>>, vector<8x16xf32>
      tpu.vector_store %arg4[%swap3A_31, %swap3A_32], %broadcast_in_dim3A_30 {strides = array<i32>} : memref<8x16xf32, #tpu.memory_space<vmem>>, vector<8x16xf32>,
    } else {
    }
    %get3A_12 = arith.constant 0 : index
    %get3A_13 = arith.constant 0 : index
    %get3A_14 = vector.load %arg4[%get3A_12, %get3A_13] : memref<8x16xf32, #tpu.memory_space<vmem>>, vector<1x16xf32>
    %reduce_sum3A = arith.constant dense<0.000000e+00> : vector<16xf32>
    %reduce_sum3A_15 = vector.multi_reduction <add>, %dot_general3A_6, %reduce_sum3A [0] : vector<512x16xf32> to vector<16xf32>
    %broadcast_in_dim3A = vector.shape_cast %reduce_sum3A_15 : vector<16xf32> to vector<1x16xf32>
    %add3A = arith.addf %get3A_14, %broadcast_in_dim3A : vector<1x16xf32>
    %swap3A_16 = arith.constant 0 : index
    %swap3A_17 = arith.constant 0 : index
    %swap3A_18 = vector.load %arg4[%swap3A_16, %swap3A_17] : memref<8x16xf32, #tpu.memory_space<vmem>>, vector<1x16xf32>
    tpu.vector_store %arg4[%swap3A_16, %swap3A_17], %add3A {strides = array<i32>} : memref<8x16xf32, #tpu.memory_space<vmem>>, vector<1x16xf32>,
    %get3A_19 = arith.constant 1 : index
    %get3A_20 = arith.constant 0 : index
    %get3A_21 = vector.load %arg4[%get3A_19, %get3A_20] : memref<8x16xf32, #tpu.memory_space<vmem>>, vector<1x16xf32>
    %mul3A = arith.mulf %dot_general3A_6, %dot_general3A_6 : vector<512x16xf32>
    %reduce_sum3A_22 = arith.constant dense<0.000000e+00> : vector<16xf32>
    %reduce_sum3A_23 = vector.multi_reduction <add>, %mul3A, %reduce_sum3A_22 [0] : vector<512x16xf32> to vector<16xf32>
    %broadcast_in_dim3A_24 = vector.shape_cast %reduce_sum3A_23 : vector<16xf32> to vector<1x16xf32>
    %add3A_25 = arith.addf %get3A_21, %broadcast_in_dim3A_24 : vector<1x16xf32>
    %swap3A_26 = arith.constant 1 : index
    %swap3A_27 = arith.constant 0 : index
    %swap3A_28 = vector.load %arg4[%swap3A_26, %swap3A_27] : memref<8x16xf32, #tpu.memory_space<vmem>>, vector<1x16xf32>
    tpu.vector_store %arg4[%swap3A_26, %swap3A_27], %add3A_25 {strides = array<i32>} : memref<8x16xf32, #tpu.memory_space<vmem>>, vector<1x16xf32>,
    return
  }
  func.func @transform_0(%arg0: i32) -> (i32, i32) {
    %c0_i32 = arith.constant 0 : i32
    %c0_i32_0 = arith.constant 0 : i32
    return %arg0, %c0_i32 : i32, i32
  }
  func.func @transform_1(%arg0: i32) -> (i32, i32) {
    %c0_i32 = arith.constant 0 : i32
    %c0_i32_0 = arith.constant 0 : i32
    %c0_i32_1 = arith.constant 0 : i32
    return %c0_i32, %c0_i32_0 : i32, i32
  }
  func.func @transform_2(%arg0: i32) -> (i32, i32) {
    %c0_i32 = arith.constant 0 : i32
    %c0_i32_0 = arith.constant 0 : i32
    return %arg0, %c0_i32 : i32, i32
  }
  func.func @transform_3(%arg0: i32) -> (i32, i32) {
    %c0_i32 = arith.constant 0 : i32
    %c0_i32_0 = arith.constant 0 : i32
    %c0_i32_1 = arith.constant 0 : i32
    return %c0_i32, %c0_i32_0 : i32, i32
  }
}

module attributes {stable_mosaic.version = 14 : i64} {
  func.func @_x9_body(%arg0: i32, %arg1: memref<512x8xf32, #tpu.memory_space<vmem>>, %arg2: memref<512x16xf32, #tpu.memory_space<vmem>>, %arg3: memref<8x16xf32, #tpu.memory_space<vmem>>, %arg4: memref<512x16xf32, #tpu.memory_space<vmem>>) attributes {dimension_semantics = [#tpu.dimension_semantics<arbitrary>], iteration_bounds = array<i64: 16>, scalar_prefetch = 0 : i64, scratch_operands = 0 : i64, tpu.core_type = #tpu.core_type<tc>, window_params = [{transform_indices = @transform_0, window_bounds = array<i64: 512, 8>}, {transform_indices = @transform_1, window_bounds = array<i64: 512, 16>}, {pipeline_mode = #tpu.pipeline_mode<synchronous>, transform_indices = @transform_2, window_bounds = array<i64: 8, 16>}, {transform_indices = @transform_3, window_bounds = array<i64: 512, 16>}]} {
    %get3A = arith.constant 4 : index
    %get3A_0 = arith.constant 0 : index
    %get3A_1 = vector.load %arg3[%get3A, %get3A_0] : memref<8x16xf32, #tpu.memory_space<vmem>>, vector<1x16xf32>
    %get3A_2 = arith.constant 5 : index
    %get3A_3 = arith.constant 0 : index
    %get3A_4 = vector.load %arg3[%get3A_2, %get3A_3] : memref<8x16xf32, #tpu.memory_space<vmem>>, vector<1x1xf32>
    %get3A_5 = arith.constant 0 : index
    %get3A_6 = arith.constant 0 : index
    %get3A_7 = vector.load %arg2[%get3A_5, %get3A_6] : memref<512x16xf32, #tpu.memory_space<vmem>>, vector<512x16xf32>
    %get3A_8 = arith.constant 0 : index
    %get3A_9 = arith.constant 0 : index
    %get3A_10 = vector.load %arg3[%get3A_8, %get3A_9] : memref<8x16xf32, #tpu.memory_space<vmem>>, vector<1x16xf32>
    %sub3A = vector.broadcast %get3A_10 : vector<1x16xf32> to vector<512x16xf32>
    %sub3A_11 = arith.subf %get3A_7, %sub3A : vector<512x16xf32>
    %get3A_12 = arith.constant 1 : index
    %get3A_13 = arith.constant 0 : index
    %get3A_14 = vector.load %arg3[%get3A_12, %get3A_13] : memref<8x16xf32, #tpu.memory_space<vmem>>, vector<1x16xf32>
    %div3A = vector.broadcast %get3A_14 : vector<1x16xf32> to vector<512x16xf32>
    %div3A_15 = arith.divf %sub3A_11, %div3A : vector<512x16xf32>
    %get3A_16 = arith.constant 2 : index
    %get3A_17 = arith.constant 0 : index
    %get3A_18 = vector.load %arg3[%get3A_16, %get3A_17] : memref<8x16xf32, #tpu.memory_space<vmem>>, vector<1x16xf32>
    %mul3A = vector.broadcast %get3A_18 : vector<1x16xf32> to vector<512x16xf32>
    %mul3A_19 = arith.mulf %div3A_15, %mul3A : vector<512x16xf32>
    %get3A_20 = arith.constant 3 : index
    %get3A_21 = arith.constant 0 : index
    %get3A_22 = vector.load %arg3[%get3A_20, %get3A_21] : memref<8x16xf32, #tpu.memory_space<vmem>>, vector<1x16xf32>
    %add3A = vector.broadcast %get3A_22 : vector<1x16xf32> to vector<512x16xf32>
    %add3A_23 = arith.addf %mul3A_19, %add3A : vector<512x16xf32>
    %ge3A = arith.constant 0.000000e+00 : f32
    %ge3A_24 = vector.broadcast %ge3A : f32 to vector<512x16xf32>
    %ge3A_25 = arith.cmpf oge, %add3A_23, %ge3A_24 : vector<512x16xf32>
    %mul3A_26 = arith.constant 2.000000e-01 : f32
    %mul3A_27 = vector.broadcast %mul3A_26 : f32 to vector<512x16xf32>
    %mul3A_28 = arith.mulf %mul3A_27, %add3A_23 : vector<512x16xf32>
    %select_n3A = arith.select %ge3A_25, %add3A_23, %mul3A_28 : vector<512x16xi1>, vector<512x16xf32>
    %convert_element_type3A = arith.truncf %select_n3A : vector<512x16xf32> to vector<512x16xbf16>
    %convert_element_type3A_29 = arith.extf %convert_element_type3A : vector<512x16xbf16> to vector<512x16xf32>
    %mul3A_30 = vector.broadcast %get3A_1 : vector<1x16xf32> to vector<512x16xf32>
    %mul3A_31 = arith.mulf %convert_element_type3A_29, %mul3A_30 : vector<512x16xf32>
    %reduce_sum3A = arith.constant dense<0.000000e+00> : vector<512xf32>
    %reduce_sum3A_32 = vector.multi_reduction <add>, %mul3A_31, %reduce_sum3A [1] : vector<512x16xf32> to vector<512xf32>
    %broadcast_in_dim3A = vector.shape_cast %reduce_sum3A_32 : vector<512xf32> to vector<512x1xf32>
    %add3A_33 = vector.broadcast %get3A_4 : vector<1x1xf32> to vector<512x1xf32>
    %add3A_34 = arith.addf %broadcast_in_dim3A, %add3A_33 : vector<512x1xf32>
    %neg3A = arith.constant 0.000000e+00 : f32
    %neg3A_35 = vector.broadcast %neg3A : f32 to vector<512x1xf32>
    %neg3A_36 = arith.subf %neg3A_35, %add3A_34 : vector<512x1xf32>
    %exp3A = math.exp %neg3A_36 : vector<512x1xf32>
    %add3A_37 = arith.constant 1.000000e+00 : f32
    %add3A_38 = vector.broadcast %add3A_37 : f32 to vector<512x1xf32>
    %add3A_39 = arith.addf %add3A_38, %exp3A : vector<512x1xf32>
    %div3A_40 = arith.constant 1.000000e+00 : f32
    %div3A_41 = vector.broadcast %div3A_40 : f32 to vector<512x1xf32>
    %div3A_42 = arith.divf %div3A_41, %add3A_39 : vector<512x1xf32>
    %get3A_43 = arith.constant 0 : index
    %get3A_44 = arith.constant 0 : index
    %get3A_45 = vector.load %arg1[%get3A_43, %get3A_44] : memref<512x8xf32, #tpu.memory_space<vmem>>, vector<512x8xf32>
    %broadcast_in_dim3A_46 = arith.constant 0.000000e+00 : f32
    %broadcast_in_dim3A_47 = vector.broadcast %broadcast_in_dim3A_46 : f32 to vector<512x7xf32>
    %concatenate3A = tpu.concatenate %get3A_45, %div3A_42, %broadcast_in_dim3A_47 in 1 : vector<512x8xf32>, vector<512x1xf32>, vector<512x7xf32> -> vector<512x16xf32>
    %swap3A = arith.constant 0 : index
    %swap3A_48 = arith.constant 0 : index
    %swap3A_49 = vector.load %arg4[%swap3A, %swap3A_48] : memref<512x16xf32, #tpu.memory_space<vmem>>, vector<512x16xf32>
    tpu.vector_store %arg4[%swap3A, %swap3A_48], %concatenate3A {strides = array<i32>} : memref<512x16xf32, #tpu.memory_space<vmem>>, vector<512x16xf32>,
    return
  }
  func.func @transform_0(%arg0: i32) -> (i32, i32) {
    %c0_i32 = arith.constant 0 : i32
    %c0_i32_0 = arith.constant 0 : i32
    return %arg0, %c0_i32 : i32, i32
  }
  func.func @transform_1(%arg0: i32) -> (i32, i32) {
    %c0_i32 = arith.constant 0 : i32
    %c0_i32_0 = arith.constant 0 : i32
    return %arg0, %c0_i32 : i32, i32
  }
  func.func @transform_2(%arg0: i32) -> (i32, i32) {
    %c0_i32 = arith.constant 0 : i32
    %c0_i32_0 = arith.constant 0 : i32
    %c0_i32_1 = arith.constant 0 : i32
    return %c0_i32, %c0_i32_0 : i32, i32
  }
  func.func @transform_3(%arg0: i32) -> (i32, i32) {
    %c0_i32 = arith.constant 0 : i32
    %c0_i32_0 = arith.constant 0 : i32
    return %arg0, %c0_i32 : i32, i32
  }
}

module attributes {stable_mosaic.version = 14 : i64} {
  func.func @_edge_body(%arg0: i32, %arg1: memref<4096x16xf32, #tpu.memory_space<vmem>>, %arg2: memref<128x16xf32, #tpu.memory_space<vmem>>, %arg3: memref<32x64xf32, #tpu.memory_space<vmem>>, %arg4: memref<128x64xf32, #tpu.memory_space<vmem>>, %arg5: memref<128x64xf32, #tpu.memory_space<vmem>>, %arg6: memref<8x64xf32, #tpu.memory_space<vmem>>) attributes {dimension_semantics = [#tpu.dimension_semantics<arbitrary>], iteration_bounds = array<i64: 64>, scalar_prefetch = 0 : i64, scratch_operands = 0 : i64, tpu.core_type = #tpu.core_type<tc>, window_params = [{transform_indices = @transform_0, window_bounds = array<i64: 4096, 16>}, {transform_indices = @transform_1, window_bounds = array<i64: 128, 16>}, {pipeline_mode = #tpu.pipeline_mode<synchronous>, transform_indices = @transform_2, window_bounds = array<i64: 32, 64>}, {transform_indices = @transform_3, window_bounds = array<i64: 128, 64>}, {transform_indices = @transform_4, window_bounds = array<i64: 128, 64>}, {pipeline_mode = #tpu.pipeline_mode<synchronous>, transform_indices = @transform_5, window_bounds = array<i64: 8, 64>}]} {
    %get3A = arith.constant 0 : index
    %get3A_0 = arith.constant 0 : index
    %get3A_1 = vector.load %arg1[%get3A, %get3A_0] : memref<4096x16xf32, #tpu.memory_space<vmem>>, vector<4096x16xf32>
    %reshape3A = vector.shape_cast %get3A_1 : vector<4096x16xf32> to vector<128x32x16xf32>
    %get3A_2 = arith.constant 0 : index
    %get3A_3 = arith.constant 0 : index
    %get3A_4 = vector.load %arg2[%get3A_2, %get3A_3] : memref<128x16xf32, #tpu.memory_space<vmem>>, vector<128x16xf32>
    %reshape3A_5 = vector.shape_cast %get3A_4 : vector<128x16xf32> to vector<128x1x16xf32>
    %sub3A = vector.broadcast %reshape3A_5 : vector<128x1x16xf32> to vector<128x32x16xf32>
    %sub3A_6 = arith.subf %reshape3A, %sub3A : vector<128x32x16xf32>
    %convert_element_type3A = arith.truncf %sub3A_6 : vector<128x32x16xf32> to vector<128x32x16xbf16>
    %convert_element_type3A_7 = arith.extf %convert_element_type3A : vector<128x32x16xbf16> to vector<128x32x16xf32>
    %broadcast_in_dim3A = vector.shape_cast %reshape3A_5 : vector<128x1x16xf32> to vector<128x1x16xf32>
    %broadcast_in_dim3A_8 = vector.broadcast %broadcast_in_dim3A : vector<128x1x16xf32> to vector<128x32x16xf32>
    %convert_element_type3A_9 = arith.truncf %broadcast_in_dim3A_8 : vector<128x32x16xf32> to vector<128x32x16xbf16>
    %convert_element_type3A_10 = arith.extf %convert_element_type3A_9 : vector<128x32x16xbf16> to vector<128x32x16xf32>
    %concatenate3A = tpu.concatenate %convert_element_type3A_7, %convert_element_type3A_10 in 2 : vector<128x32x16xf32>, vector<128x32x16xf32> -> vector<128x32x32xf32>
    %reshape3A_11 = vector.shape_cast %concatenate3A : vector<128x32x32xf32> to vector<4096x32xf32>
    %get3A_12 = arith.constant 0 : index
    %get3A_13 = arith.constant 0 : index
    %get3A_14 = vector.load %arg3[%get3A_12, %get3A_13] : memref<32x64xf32, #tpu.memory_space<vmem>>, vector<32x64xf32>
    %dot_general3A = arith.constant dense<0.000000e+00> : vector<4096x64xf32>
    %dot_general3A_15 = tpu.matmul %reshape3A_11, %get3A_14, %dot_general3A {dimension_numbers = #tpu.dot_dimension_numbers<[1], [0], [0], [1], [0, 0, 1, 1], [], []>, transpose_lhs_hint = false} : vector<4096x32xf32>, vector<32x64xf32>, vector<4096x64xf32> -> vector<4096x64xf32>
    %reshape3A_16 = vector.shape_cast %dot_general3A_15 : vector<4096x64xf32> to vector<128x32x64xf32>
    %reduce_max3A = arith.constant dense<0xFF800000> : vector<128x64xf32>
    %reduce_max3A_17 = vector.multi_reduction <maximumf>, %reshape3A_16, %reduce_max3A [1] : vector<128x32x64xf32> to vector<128x64xf32>
    %swap3A = arith.constant 0 : index
    %swap3A_18 = arith.constant 0 : index
    %swap3A_19 = vector.load %arg4[%swap3A, %swap3A_18] : memref<128x64xf32, #tpu.memory_space<vmem>>, vector<128x64xf32>
    tpu.vector_store %arg4[%swap3A, %swap3A_18], %reduce_max3A_17 {strides = array<i32>} : memref<128x64xf32, #tpu.memory_space<vmem>>, vector<128x64xf32>,
    %reduce_min3A = arith.constant dense<0x7F800000> : vector<128x64xf32>
    %reduce_min3A_20 = vector.multi_reduction <minimumf>, %reshape3A_16, %reduce_min3A [1] : vector<128x32x64xf32> to vector<128x64xf32>
    %swap3A_21 = arith.constant 0 : index
    %swap3A_22 = arith.constant 0 : index
    %swap3A_23 = vector.load %arg5[%swap3A_21, %swap3A_22] : memref<128x64xf32, #tpu.memory_space<vmem>>, vector<128x64xf32>
    tpu.vector_store %arg5[%swap3A_21, %swap3A_22], %reduce_min3A_20 {strides = array<i32>} : memref<128x64xf32, #tpu.memory_space<vmem>>, vector<128x64xf32>,
    %eq3A = arith.constant 0 : i32
    %eq3A_24 = arith.cmpi eq, %arg0, %eq3A : i32
    %convert_element_type3A_25 = arith.extui %eq3A_24 : i1 to i32
    %cond3A = arith.constant 0 : i32
    %cond3A_26 = arith.cmpi ne, %convert_element_type3A_25, %cond3A : i32
    scf.if %cond3A_26 {
      %broadcast_in_dim3A_45 = arith.constant 0.000000e+00 : f32
      %broadcast_in_dim3A_46 = vector.broadcast %broadcast_in_dim3A_45 : f32 to vector<8x64xf32>
      %swap3A_47 = arith.constant 0 : index
      %swap3A_48 = arith.constant 0 : index
      %swap3A_49 = vector.load %arg6[%swap3A_47, %swap3A_48] : memref<8x64xf32, #tpu.memory_space<vmem>>, vector<8x64xf32>
      tpu.vector_store %arg6[%swap3A_47, %swap3A_48], %broadcast_in_dim3A_46 {strides = array<i32>} : memref<8x64xf32, #tpu.memory_space<vmem>>, vector<8x64xf32>,
    } else {
    }
    %get3A_27 = arith.constant 0 : index
    %get3A_28 = arith.constant 0 : index
    %get3A_29 = vector.load %arg6[%get3A_27, %get3A_28] : memref<8x64xf32, #tpu.memory_space<vmem>>, vector<1x64xf32>
    %reduce_sum3A = arith.constant dense<0.000000e+00> : vector<64xf32>
    %reduce_sum3A_30 = vector.multi_reduction <add>, %dot_general3A_15, %reduce_sum3A [0] : vector<4096x64xf32> to vector<64xf32>
    %broadcast_in_dim3A_31 = vector.shape_cast %reduce_sum3A_30 : vector<64xf32> to vector<1x64xf32>
    %add3A = arith.addf %get3A_29, %broadcast_in_dim3A_31 : vector<1x64xf32>
    %swap3A_32 = arith.constant 0 : index
    %swap3A_33 = arith.constant 0 : index
    %swap3A_34 = vector.load %arg6[%swap3A_32, %swap3A_33] : memref<8x64xf32, #tpu.memory_space<vmem>>, vector<1x64xf32>
    tpu.vector_store %arg6[%swap3A_32, %swap3A_33], %add3A {strides = array<i32>} : memref<8x64xf32, #tpu.memory_space<vmem>>, vector<1x64xf32>,
    %get3A_35 = arith.constant 1 : index
    %get3A_36 = arith.constant 0 : index
    %get3A_37 = vector.load %arg6[%get3A_35, %get3A_36] : memref<8x64xf32, #tpu.memory_space<vmem>>, vector<1x64xf32>
    %mul3A = arith.mulf %dot_general3A_15, %dot_general3A_15 : vector<4096x64xf32>
    %reduce_sum3A_38 = arith.constant dense<0.000000e+00> : vector<64xf32>
    %reduce_sum3A_39 = vector.multi_reduction <add>, %mul3A, %reduce_sum3A_38 [0] : vector<4096x64xf32> to vector<64xf32>
    %broadcast_in_dim3A_40 = vector.shape_cast %reduce_sum3A_39 : vector<64xf32> to vector<1x64xf32>
    %add3A_41 = arith.addf %get3A_37, %broadcast_in_dim3A_40 : vector<1x64xf32>
    %swap3A_42 = arith.constant 1 : index
    %swap3A_43 = arith.constant 0 : index
    %swap3A_44 = vector.load %arg6[%swap3A_42, %swap3A_43] : memref<8x64xf32, #tpu.memory_space<vmem>>, vector<1x64xf32>
    tpu.vector_store %arg6[%swap3A_42, %swap3A_43], %add3A_41 {strides = array<i32>} : memref<8x64xf32, #tpu.memory_space<vmem>>, vector<1x64xf32>,
    return
  }
  func.func @transform_0(%arg0: i32) -> (i32, i32) {
    %c0_i32 = arith.constant 0 : i32
    %c0_i32_0 = arith.constant 0 : i32
    return %arg0, %c0_i32 : i32, i32
  }
  func.func @transform_1(%arg0: i32) -> (i32, i32) {
    %c0_i32 = arith.constant 0 : i32
    %c0_i32_0 = arith.constant 0 : i32
    return %arg0, %c0_i32 : i32, i32
  }
  func.func @transform_2(%arg0: i32) -> (i32, i32) {
    %c0_i32 = arith.constant 0 : i32
    %c0_i32_0 = arith.constant 0 : i32
    %c0_i32_1 = arith.constant 0 : i32
    return %c0_i32, %c0_i32_0 : i32, i32
  }
  func.func @transform_3(%arg0: i32) -> (i32, i32) {
    %c0_i32 = arith.constant 0 : i32
    %c0_i32_0 = arith.constant 0 : i32
    return %arg0, %c0_i32 : i32, i32
  }
  func.func @transform_4(%arg0: i32) -> (i32, i32) {
    %c0_i32 = arith.constant 0 : i32
    %c0_i32_0 = arith.constant 0 : i32
    return %arg0, %c0_i32 : i32, i32
  }
  func.func @transform_5(%arg0: i32) -> (i32, i32) {
    %c0_i32 = arith.constant 0 : i32
    %c0_i32_0 = arith.constant 0 : i32
    %c0_i32_1 = arith.constant 0 : i32
    return %c0_i32, %c0_i32_0 : i32, i32
  }
}

module attributes {stable_mosaic.version = 14 : i64} {
  func.func @_apply_body(%arg0: i32, %arg1: memref<512x64xf32, #tpu.memory_space<vmem>>, %arg2: memref<512x64xf32, #tpu.memory_space<vmem>>, %arg3: memref<8x64xf32, #tpu.memory_space<vmem>>, %arg4: memref<512x64xf32, #tpu.memory_space<vmem>>) attributes {dimension_semantics = [#tpu.dimension_semantics<arbitrary>], iteration_bounds = array<i64: 16>, scalar_prefetch = 0 : i64, scratch_operands = 0 : i64, tpu.core_type = #tpu.core_type<tc>, window_params = [{transform_indices = @transform_0, window_bounds = array<i64: 512, 64>}, {transform_indices = @transform_1, window_bounds = array<i64: 512, 64>}, {pipeline_mode = #tpu.pipeline_mode<synchronous>, transform_indices = @transform_2, window_bounds = array<i64: 8, 64>}, {transform_indices = @transform_3, window_bounds = array<i64: 512, 64>}]} {
    %get3A = arith.constant 0 : index
    %get3A_0 = arith.constant 0 : index
    %get3A_1 = vector.load %arg1[%get3A, %get3A_0] : memref<512x64xf32, #tpu.memory_space<vmem>>, vector<512x64xf32>
    %get3A_2 = arith.constant 0 : index
    %get3A_3 = arith.constant 0 : index
    %get3A_4 = vector.load %arg3[%get3A_2, %get3A_3] : memref<8x64xf32, #tpu.memory_space<vmem>>, vector<1x64xf32>
    %sub3A = vector.broadcast %get3A_4 : vector<1x64xf32> to vector<512x64xf32>
    %sub3A_5 = arith.subf %get3A_1, %sub3A : vector<512x64xf32>
    %get3A_6 = arith.constant 1 : index
    %get3A_7 = arith.constant 0 : index
    %get3A_8 = vector.load %arg3[%get3A_6, %get3A_7] : memref<8x64xf32, #tpu.memory_space<vmem>>, vector<1x64xf32>
    %div3A = vector.broadcast %get3A_8 : vector<1x64xf32> to vector<512x64xf32>
    %div3A_9 = arith.divf %sub3A_5, %div3A : vector<512x64xf32>
    %get3A_10 = arith.constant 2 : index
    %get3A_11 = arith.constant 0 : index
    %get3A_12 = vector.load %arg3[%get3A_10, %get3A_11] : memref<8x64xf32, #tpu.memory_space<vmem>>, vector<1x64xf32>
    %mul3A = vector.broadcast %get3A_12 : vector<1x64xf32> to vector<512x64xf32>
    %mul3A_13 = arith.mulf %div3A_9, %mul3A : vector<512x64xf32>
    %get3A_14 = arith.constant 3 : index
    %get3A_15 = arith.constant 0 : index
    %get3A_16 = vector.load %arg3[%get3A_14, %get3A_15] : memref<8x64xf32, #tpu.memory_space<vmem>>, vector<1x64xf32>
    %add3A = vector.broadcast %get3A_16 : vector<1x64xf32> to vector<512x64xf32>
    %add3A_17 = arith.addf %mul3A_13, %add3A : vector<512x64xf32>
    %ge3A = arith.constant 0.000000e+00 : f32
    %ge3A_18 = vector.broadcast %ge3A : f32 to vector<512x64xf32>
    %ge3A_19 = arith.cmpf oge, %add3A_17, %ge3A_18 : vector<512x64xf32>
    %mul3A_20 = arith.constant 2.000000e-01 : f32
    %mul3A_21 = vector.broadcast %mul3A_20 : f32 to vector<512x64xf32>
    %mul3A_22 = arith.mulf %mul3A_21, %add3A_17 : vector<512x64xf32>
    %select_n3A = arith.select %ge3A_19, %add3A_17, %mul3A_22 : vector<512x64xi1>, vector<512x64xf32>
    %get3A_23 = arith.constant 0 : index
    %get3A_24 = arith.constant 0 : index
    %get3A_25 = vector.load %arg2[%get3A_23, %get3A_24] : memref<512x64xf32, #tpu.memory_space<vmem>>, vector<512x64xf32>
    %get3A_26 = arith.constant 0 : index
    %get3A_27 = arith.constant 0 : index
    %get3A_28 = vector.load %arg3[%get3A_26, %get3A_27] : memref<8x64xf32, #tpu.memory_space<vmem>>, vector<1x64xf32>
    %sub3A_29 = vector.broadcast %get3A_28 : vector<1x64xf32> to vector<512x64xf32>
    %sub3A_30 = arith.subf %get3A_25, %sub3A_29 : vector<512x64xf32>
    %get3A_31 = arith.constant 1 : index
    %get3A_32 = arith.constant 0 : index
    %get3A_33 = vector.load %arg3[%get3A_31, %get3A_32] : memref<8x64xf32, #tpu.memory_space<vmem>>, vector<1x64xf32>
    %div3A_34 = vector.broadcast %get3A_33 : vector<1x64xf32> to vector<512x64xf32>
    %div3A_35 = arith.divf %sub3A_30, %div3A_34 : vector<512x64xf32>
    %get3A_36 = arith.constant 2 : index
    %get3A_37 = arith.constant 0 : index
    %get3A_38 = vector.load %arg3[%get3A_36, %get3A_37] : memref<8x64xf32, #tpu.memory_space<vmem>>, vector<1x64xf32>
    %mul3A_39 = vector.broadcast %get3A_38 : vector<1x64xf32> to vector<512x64xf32>
    %mul3A_40 = arith.mulf %div3A_35, %mul3A_39 : vector<512x64xf32>
    %get3A_41 = arith.constant 3 : index
    %get3A_42 = arith.constant 0 : index
    %get3A_43 = vector.load %arg3[%get3A_41, %get3A_42] : memref<8x64xf32, #tpu.memory_space<vmem>>, vector<1x64xf32>
    %add3A_44 = vector.broadcast %get3A_43 : vector<1x64xf32> to vector<512x64xf32>
    %add3A_45 = arith.addf %mul3A_40, %add3A_44 : vector<512x64xf32>
    %ge3A_46 = arith.constant 0.000000e+00 : f32
    %ge3A_47 = vector.broadcast %ge3A_46 : f32 to vector<512x64xf32>
    %ge3A_48 = arith.cmpf oge, %add3A_45, %ge3A_47 : vector<512x64xf32>
    %mul3A_49 = arith.constant 2.000000e-01 : f32
    %mul3A_50 = vector.broadcast %mul3A_49 : f32 to vector<512x64xf32>
    %mul3A_51 = arith.mulf %mul3A_50, %add3A_45 : vector<512x64xf32>
    %select_n3A_52 = arith.select %ge3A_48, %add3A_45, %mul3A_51 : vector<512x64xi1>, vector<512x64xf32>
    %max3A = arith.maximumf %select_n3A, %select_n3A_52 : vector<512x64xf32>
    %swap3A = arith.constant 0 : index
    %swap3A_53 = arith.constant 0 : index
    %swap3A_54 = vector.load %arg4[%swap3A, %swap3A_53] : memref<512x64xf32, #tpu.memory_space<vmem>>, vector<512x64xf32>
    tpu.vector_store %arg4[%swap3A, %swap3A_53], %max3A {strides = array<i32>} : memref<512x64xf32, #tpu.memory_space<vmem>>, vector<512x64xf32>,
    return
  }
  func.func @transform_0(%arg0: i32) -> (i32, i32) {
    %c0_i32 = arith.constant 0 : i32
    %c0_i32_0 = arith.constant 0 : i32
    return %arg0, %c0_i32 : i32, i32
  }
  func.func @transform_1(%arg0: i32) -> (i32, i32) {
    %c0_i32 = arith.constant 0 : i32
    %c0_i32_0 = arith.constant 0 : i32
    return %arg0, %c0_i32 : i32, i32
  }
  func.func @transform_2(%arg0: i32) -> (i32, i32) {
    %c0_i32 = arith.constant 0 : i32
    %c0_i32_0 = arith.constant 0 : i32
    %c0_i32_1 = arith.constant 0 : i32
    return %c0_i32, %c0_i32_0 : i32, i32
  }
  func.func @transform_3(%arg0: i32) -> (i32, i32) {
    %c0_i32 = arith.constant 0 : i32
    %c0_i32_0 = arith.constant 0 : i32
    return %arg0, %c0_i32 : i32, i32
  }
}

module attributes {stable_mosaic.version = 14 : i64} {
  func.func @_edge_body(%arg0: i32, %arg1: memref<4096x64xf32, #tpu.memory_space<vmem>>, %arg2: memref<128x64xf32, #tpu.memory_space<vmem>>, %arg3: memref<128x64xf32, #tpu.memory_space<vmem>>, %arg4: memref<128x64xf32, #tpu.memory_space<vmem>>, %arg5: memref<128x64xf32, #tpu.memory_space<vmem>>, %arg6: memref<8x64xf32, #tpu.memory_space<vmem>>) attributes {dimension_semantics = [#tpu.dimension_semantics<arbitrary>], iteration_bounds = array<i64: 64>, scalar_prefetch = 0 : i64, scratch_operands = 0 : i64, tpu.core_type = #tpu.core_type<tc>, window_params = [{transform_indices = @transform_0, window_bounds = array<i64: 4096, 64>}, {transform_indices = @transform_1, window_bounds = array<i64: 128, 64>}, {pipeline_mode = #tpu.pipeline_mode<synchronous>, transform_indices = @transform_2, window_bounds = array<i64: 128, 64>}, {transform_indices = @transform_3, window_bounds = array<i64: 128, 64>}, {transform_indices = @transform_4, window_bounds = array<i64: 128, 64>}, {pipeline_mode = #tpu.pipeline_mode<synchronous>, transform_indices = @transform_5, window_bounds = array<i64: 8, 64>}]} {
    %get3A = arith.constant 0 : index
    %get3A_0 = arith.constant 0 : index
    %get3A_1 = vector.load %arg1[%get3A, %get3A_0] : memref<4096x64xf32, #tpu.memory_space<vmem>>, vector<4096x64xf32>
    %reshape3A = vector.shape_cast %get3A_1 : vector<4096x64xf32> to vector<128x32x64xf32>
    %get3A_2 = arith.constant 0 : index
    %get3A_3 = arith.constant 0 : index
    %get3A_4 = vector.load %arg2[%get3A_2, %get3A_3] : memref<128x64xf32, #tpu.memory_space<vmem>>, vector<128x64xf32>
    %reshape3A_5 = vector.shape_cast %get3A_4 : vector<128x64xf32> to vector<128x1x64xf32>
    %sub3A = vector.broadcast %reshape3A_5 : vector<128x1x64xf32> to vector<128x32x64xf32>
    %sub3A_6 = arith.subf %reshape3A, %sub3A : vector<128x32x64xf32>
    %convert_element_type3A = arith.truncf %sub3A_6 : vector<128x32x64xf32> to vector<128x32x64xbf16>
    %convert_element_type3A_7 = arith.extf %convert_element_type3A : vector<128x32x64xbf16> to vector<128x32x64xf32>
    %broadcast_in_dim3A = vector.shape_cast %reshape3A_5 : vector<128x1x64xf32> to vector<128x1x64xf32>
    %broadcast_in_dim3A_8 = vector.broadcast %broadcast_in_dim3A : vector<128x1x64xf32> to vector<128x32x64xf32>
    %convert_element_type3A_9 = arith.truncf %broadcast_in_dim3A_8 : vector<128x32x64xf32> to vector<128x32x64xbf16>
    %convert_element_type3A_10 = arith.extf %convert_element_type3A_9 : vector<128x32x64xbf16> to vector<128x32x64xf32>
    %concatenate3A = tpu.concatenate %convert_element_type3A_7, %convert_element_type3A_10 in 2 : vector<128x32x64xf32>, vector<128x32x64xf32> -> vector<128x32x128xf32>
    %reshape3A_11 = vector.shape_cast %concatenate3A : vector<128x32x128xf32> to vector<4096x128xf32>
    %get3A_12 = arith.constant 0 : index
    %get3A_13 = arith.constant 0 : index
    %get3A_14 = vector.load %arg3[%get3A_12, %get3A_13] : memref<128x64xf32, #tpu.memory_space<vmem>>, vector<128x64xf32>
    %dot_general3A = arith.constant dense<0.000000e+00> : vector<4096x64xf32>
    %dot_general3A_15 = tpu.matmul %reshape3A_11, %get3A_14, %dot_general3A {dimension_numbers = #tpu.dot_dimension_numbers<[1], [0], [0], [1], [0, 0, 1, 1], [], []>, transpose_lhs_hint = false} : vector<4096x128xf32>, vector<128x64xf32>, vector<4096x64xf32> -> vector<4096x64xf32>
    %reshape3A_16 = vector.shape_cast %dot_general3A_15 : vector<4096x64xf32> to vector<128x32x64xf32>
    %reduce_max3A = arith.constant dense<0xFF800000> : vector<128x64xf32>
    %reduce_max3A_17 = vector.multi_reduction <maximumf>, %reshape3A_16, %reduce_max3A [1] : vector<128x32x64xf32> to vector<128x64xf32>
    %swap3A = arith.constant 0 : index
    %swap3A_18 = arith.constant 0 : index
    %swap3A_19 = vector.load %arg4[%swap3A, %swap3A_18] : memref<128x64xf32, #tpu.memory_space<vmem>>, vector<128x64xf32>
    tpu.vector_store %arg4[%swap3A, %swap3A_18], %reduce_max3A_17 {strides = array<i32>} : memref<128x64xf32, #tpu.memory_space<vmem>>, vector<128x64xf32>,
    %reduce_min3A = arith.constant dense<0x7F800000> : vector<128x64xf32>
    %reduce_min3A_20 = vector.multi_reduction <minimumf>, %reshape3A_16, %reduce_min3A [1] : vector<128x32x64xf32> to vector<128x64xf32>
    %swap3A_21 = arith.constant 0 : index
    %swap3A_22 = arith.constant 0 : index
    %swap3A_23 = vector.load %arg5[%swap3A_21, %swap3A_22] : memref<128x64xf32, #tpu.memory_space<vmem>>, vector<128x64xf32>
    tpu.vector_store %arg5[%swap3A_21, %swap3A_22], %reduce_min3A_20 {strides = array<i32>} : memref<128x64xf32, #tpu.memory_space<vmem>>, vector<128x64xf32>,
    %eq3A = arith.constant 0 : i32
    %eq3A_24 = arith.cmpi eq, %arg0, %eq3A : i32
    %convert_element_type3A_25 = arith.extui %eq3A_24 : i1 to i32
    %cond3A = arith.constant 0 : i32
    %cond3A_26 = arith.cmpi ne, %convert_element_type3A_25, %cond3A : i32
    scf.if %cond3A_26 {
      %broadcast_in_dim3A_45 = arith.constant 0.000000e+00 : f32
      %broadcast_in_dim3A_46 = vector.broadcast %broadcast_in_dim3A_45 : f32 to vector<8x64xf32>
      %swap3A_47 = arith.constant 0 : index
      %swap3A_48 = arith.constant 0 : index
      %swap3A_49 = vector.load %arg6[%swap3A_47, %swap3A_48] : memref<8x64xf32, #tpu.memory_space<vmem>>, vector<8x64xf32>
      tpu.vector_store %arg6[%swap3A_47, %swap3A_48], %broadcast_in_dim3A_46 {strides = array<i32>} : memref<8x64xf32, #tpu.memory_space<vmem>>, vector<8x64xf32>,
    } else {
    }
    %get3A_27 = arith.constant 0 : index
    %get3A_28 = arith.constant 0 : index
    %get3A_29 = vector.load %arg6[%get3A_27, %get3A_28] : memref<8x64xf32, #tpu.memory_space<vmem>>, vector<1x64xf32>
    %reduce_sum3A = arith.constant dense<0.000000e+00> : vector<64xf32>
    %reduce_sum3A_30 = vector.multi_reduction <add>, %dot_general3A_15, %reduce_sum3A [0] : vector<4096x64xf32> to vector<64xf32>
    %broadcast_in_dim3A_31 = vector.shape_cast %reduce_sum3A_30 : vector<64xf32> to vector<1x64xf32>
    %add3A = arith.addf %get3A_29, %broadcast_in_dim3A_31 : vector<1x64xf32>
    %swap3A_32 = arith.constant 0 : index
    %swap3A_33 = arith.constant 0 : index
    %swap3A_34 = vector.load %arg6[%swap3A_32, %swap3A_33] : memref<8x64xf32, #tpu.memory_space<vmem>>, vector<1x64xf32>
    tpu.vector_store %arg6[%swap3A_32, %swap3A_33], %add3A {strides = array<i32>} : memref<8x64xf32, #tpu.memory_space<vmem>>, vector<1x64xf32>,
    %get3A_35 = arith.constant 1 : index
    %get3A_36 = arith.constant 0 : index
    %get3A_37 = vector.load %arg6[%get3A_35, %get3A_36] : memref<8x64xf32, #tpu.memory_space<vmem>>, vector<1x64xf32>
    %mul3A = arith.mulf %dot_general3A_15, %dot_general3A_15 : vector<4096x64xf32>
    %reduce_sum3A_38 = arith.constant dense<0.000000e+00> : vector<64xf32>
    %reduce_sum3A_39 = vector.multi_reduction <add>, %mul3A, %reduce_sum3A_38 [0] : vector<4096x64xf32> to vector<64xf32>
    %broadcast_in_dim3A_40 = vector.shape_cast %reduce_sum3A_39 : vector<64xf32> to vector<1x64xf32>
    %add3A_41 = arith.addf %get3A_37, %broadcast_in_dim3A_40 : vector<1x64xf32>
    %swap3A_42 = arith.constant 1 : index
    %swap3A_43 = arith.constant 0 : index
    %swap3A_44 = vector.load %arg6[%swap3A_42, %swap3A_43] : memref<8x64xf32, #tpu.memory_space<vmem>>, vector<1x64xf32>
    tpu.vector_store %arg6[%swap3A_42, %swap3A_43], %add3A_41 {strides = array<i32>} : memref<8x64xf32, #tpu.memory_space<vmem>>, vector<1x64xf32>,
    return
  }
  func.func @transform_0(%arg0: i32) -> (i32, i32) {
    %c0_i32 = arith.constant 0 : i32
    %c0_i32_0 = arith.constant 0 : i32
    return %arg0, %c0_i32 : i32, i32
  }
  func.func @transform_1(%arg0: i32) -> (i32, i32) {
    %c0_i32 = arith.constant 0 : i32
    %c0_i32_0 = arith.constant 0 : i32
    return %arg0, %c0_i32 : i32, i32
  }
  func.func @transform_2(%arg0: i32) -> (i32, i32) {
    %c0_i32 = arith.constant 0 : i32
    %c0_i32_0 = arith.constant 0 : i32
    %c0_i32_1 = arith.constant 0 : i32
    return %c0_i32, %c0_i32_0 : i32, i32
  }
  func.func @transform_3(%arg0: i32) -> (i32, i32) {
    %c0_i32 = arith.constant 0 : i32
    %c0_i32_0 = arith.constant 0 : i32
    return %arg0, %c0_i32 : i32, i32
  }
  func.func @transform_4(%arg0: i32) -> (i32, i32) {
    %c0_i32 = arith.constant 0 : i32
    %c0_i32_0 = arith.constant 0 : i32
    return %arg0, %c0_i32 : i32, i32
  }
  func.func @transform_5(%arg0: i32) -> (i32, i32) {
    %c0_i32 = arith.constant 0 : i32
    %c0_i32_0 = arith.constant 0 : i32
    %c0_i32_1 = arith.constant 0 : i32
    return %c0_i32, %c0_i32_0 : i32, i32
  }
}

module attributes {stable_mosaic.version = 14 : i64} {
  func.func @_head_body(%arg0: i32, %arg1: memref<512x64xf32, #tpu.memory_space<vmem>>, %arg2: memref<512x64xf32, #tpu.memory_space<vmem>>, %arg3: memref<512x64xf32, #tpu.memory_space<vmem>>, %arg4: memref<8x64xf32, #tpu.memory_space<vmem>>, %arg5: memref<128x256xf32, #tpu.memory_space<vmem>>, %arg6: memref<512x256xf32, #tpu.memory_space<vmem>>, %arg7: memref<8x256xf32, #tpu.memory_space<vmem>>) attributes {dimension_semantics = [#tpu.dimension_semantics<arbitrary>], iteration_bounds = array<i64: 16>, scalar_prefetch = 0 : i64, scratch_operands = 0 : i64, tpu.core_type = #tpu.core_type<tc>, window_params = [{transform_indices = @transform_0, window_bounds = array<i64: 512, 64>}, {transform_indices = @transform_1, window_bounds = array<i64: 512, 64>}, {transform_indices = @transform_2, window_bounds = array<i64: 512, 64>}, {pipeline_mode = #tpu.pipeline_mode<synchronous>, transform_indices = @transform_3, window_bounds = array<i64: 8, 64>}, {pipeline_mode = #tpu.pipeline_mode<synchronous>, transform_indices = @transform_4, window_bounds = array<i64: 128, 256>}, {transform_indices = @transform_5, window_bounds = array<i64: 512, 256>}, {pipeline_mode = #tpu.pipeline_mode<synchronous>, transform_indices = @transform_6, window_bounds = array<i64: 8, 256>}]} {
    %get3A = arith.constant 0 : index
    %get3A_0 = arith.constant 0 : index
    %get3A_1 = vector.load %arg2[%get3A, %get3A_0] : memref<512x64xf32, #tpu.memory_space<vmem>>, vector<512x64xf32>
    %get3A_2 = arith.constant 0 : index
    %get3A_3 = arith.constant 0 : index
    %get3A_4 = vector.load %arg4[%get3A_2, %get3A_3] : memref<8x64xf32, #tpu.memory_space<vmem>>, vector<1x64xf32>
    %sub3A = vector.broadcast %get3A_4 : vector<1x64xf32> to vector<512x64xf32>
    %sub3A_5 = arith.subf %get3A_1, %sub3A : vector<512x64xf32>
    %get3A_6 = arith.constant 1 : index
    %get3A_7 = arith.constant 0 : index
    %get3A_8 = vector.load %arg4[%get3A_6, %get3A_7] : memref<8x64xf32, #tpu.memory_space<vmem>>, vector<1x64xf32>
    %div3A = vector.broadcast %get3A_8 : vector<1x64xf32> to vector<512x64xf32>
    %div3A_9 = arith.divf %sub3A_5, %div3A : vector<512x64xf32>
    %get3A_10 = arith.constant 2 : index
    %get3A_11 = arith.constant 0 : index
    %get3A_12 = vector.load %arg4[%get3A_10, %get3A_11] : memref<8x64xf32, #tpu.memory_space<vmem>>, vector<1x64xf32>
    %mul3A = vector.broadcast %get3A_12 : vector<1x64xf32> to vector<512x64xf32>
    %mul3A_13 = arith.mulf %div3A_9, %mul3A : vector<512x64xf32>
    %get3A_14 = arith.constant 3 : index
    %get3A_15 = arith.constant 0 : index
    %get3A_16 = vector.load %arg4[%get3A_14, %get3A_15] : memref<8x64xf32, #tpu.memory_space<vmem>>, vector<1x64xf32>
    %add3A = vector.broadcast %get3A_16 : vector<1x64xf32> to vector<512x64xf32>
    %add3A_17 = arith.addf %mul3A_13, %add3A : vector<512x64xf32>
    %ge3A = arith.constant 0.000000e+00 : f32
    %ge3A_18 = vector.broadcast %ge3A : f32 to vector<512x64xf32>
    %ge3A_19 = arith.cmpf oge, %add3A_17, %ge3A_18 : vector<512x64xf32>
    %mul3A_20 = arith.constant 2.000000e-01 : f32
    %mul3A_21 = vector.broadcast %mul3A_20 : f32 to vector<512x64xf32>
    %mul3A_22 = arith.mulf %mul3A_21, %add3A_17 : vector<512x64xf32>
    %select_n3A = arith.select %ge3A_19, %add3A_17, %mul3A_22 : vector<512x64xi1>, vector<512x64xf32>
    %get3A_23 = arith.constant 0 : index
    %get3A_24 = arith.constant 0 : index
    %get3A_25 = vector.load %arg3[%get3A_23, %get3A_24] : memref<512x64xf32, #tpu.memory_space<vmem>>, vector<512x64xf32>
    %get3A_26 = arith.constant 0 : index
    %get3A_27 = arith.constant 0 : index
    %get3A_28 = vector.load %arg4[%get3A_26, %get3A_27] : memref<8x64xf32, #tpu.memory_space<vmem>>, vector<1x64xf32>
    %sub3A_29 = vector.broadcast %get3A_28 : vector<1x64xf32> to vector<512x64xf32>
    %sub3A_30 = arith.subf %get3A_25, %sub3A_29 : vector<512x64xf32>
    %get3A_31 = arith.constant 1 : index
    %get3A_32 = arith.constant 0 : index
    %get3A_33 = vector.load %arg4[%get3A_31, %get3A_32] : memref<8x64xf32, #tpu.memory_space<vmem>>, vector<1x64xf32>
    %div3A_34 = vector.broadcast %get3A_33 : vector<1x64xf32> to vector<512x64xf32>
    %div3A_35 = arith.divf %sub3A_30, %div3A_34 : vector<512x64xf32>
    %get3A_36 = arith.constant 2 : index
    %get3A_37 = arith.constant 0 : index
    %get3A_38 = vector.load %arg4[%get3A_36, %get3A_37] : memref<8x64xf32, #tpu.memory_space<vmem>>, vector<1x64xf32>
    %mul3A_39 = vector.broadcast %get3A_38 : vector<1x64xf32> to vector<512x64xf32>
    %mul3A_40 = arith.mulf %div3A_35, %mul3A_39 : vector<512x64xf32>
    %get3A_41 = arith.constant 3 : index
    %get3A_42 = arith.constant 0 : index
    %get3A_43 = vector.load %arg4[%get3A_41, %get3A_42] : memref<8x64xf32, #tpu.memory_space<vmem>>, vector<1x64xf32>
    %add3A_44 = vector.broadcast %get3A_43 : vector<1x64xf32> to vector<512x64xf32>
    %add3A_45 = arith.addf %mul3A_40, %add3A_44 : vector<512x64xf32>
    %ge3A_46 = arith.constant 0.000000e+00 : f32
    %ge3A_47 = vector.broadcast %ge3A_46 : f32 to vector<512x64xf32>
    %ge3A_48 = arith.cmpf oge, %add3A_45, %ge3A_47 : vector<512x64xf32>
    %mul3A_49 = arith.constant 2.000000e-01 : f32
    %mul3A_50 = vector.broadcast %mul3A_49 : f32 to vector<512x64xf32>
    %mul3A_51 = arith.mulf %mul3A_50, %add3A_45 : vector<512x64xf32>
    %select_n3A_52 = arith.select %ge3A_48, %add3A_45, %mul3A_51 : vector<512x64xi1>, vector<512x64xf32>
    %max3A = arith.maximumf %select_n3A, %select_n3A_52 : vector<512x64xf32>
    %get3A_53 = arith.constant 0 : index
    %get3A_54 = arith.constant 0 : index
    %get3A_55 = vector.load %arg1[%get3A_53, %get3A_54] : memref<512x64xf32, #tpu.memory_space<vmem>>, vector<512x64xf32>
    %concatenate3A = tpu.concatenate %get3A_55, %max3A in 1 : vector<512x64xf32>, vector<512x64xf32> -> vector<512x128xf32>
    %convert_element_type3A = arith.truncf %concatenate3A : vector<512x128xf32> to vector<512x128xbf16>
    %convert_element_type3A_56 = arith.extf %convert_element_type3A : vector<512x128xbf16> to vector<512x128xf32>
    %get3A_57 = arith.constant 0 : index
    %get3A_58 = arith.constant 0 : index
    %get3A_59 = vector.load %arg5[%get3A_57, %get3A_58] : memref<128x256xf32, #tpu.memory_space<vmem>>, vector<128x256xf32>
    %dot_general3A = arith.constant dense<0.000000e+00> : vector<512x256xf32>
    %dot_general3A_60 = tpu.matmul %convert_element_type3A_56, %get3A_59, %dot_general3A {dimension_numbers = #tpu.dot_dimension_numbers<[1], [0], [0], [1], [0, 0, 1, 1], [], []>, transpose_lhs_hint = false} : vector<512x128xf32>, vector<128x256xf32>, vector<512x256xf32> -> vector<512x256xf32>
    %swap3A = arith.constant 0 : index
    %swap3A_61 = arith.constant 0 : index
    %swap3A_62 = vector.load %arg6[%swap3A, %swap3A_61] : memref<512x256xf32, #tpu.memory_space<vmem>>, vector<512x256xf32>
    tpu.vector_store %arg6[%swap3A, %swap3A_61], %dot_general3A_60 {strides = array<i32>} : memref<512x256xf32, #tpu.memory_space<vmem>>, vector<512x256xf32>,
    %eq3A = arith.constant 0 : i32
    %eq3A_63 = arith.cmpi eq, %arg0, %eq3A : i32
    %convert_element_type3A_64 = arith.extui %eq3A_63 : i1 to i32
    %cond3A = arith.constant 0 : i32
    %cond3A_65 = arith.cmpi ne, %convert_element_type3A_64, %cond3A : i32
    scf.if %cond3A_65 {
      %broadcast_in_dim3A_85 = arith.constant 0.000000e+00 : f32
      %broadcast_in_dim3A_86 = vector.broadcast %broadcast_in_dim3A_85 : f32 to vector<8x256xf32>
      %swap3A_87 = arith.constant 0 : index
      %swap3A_88 = arith.constant 0 : index
      %swap3A_89 = vector.load %arg7[%swap3A_87, %swap3A_88] : memref<8x256xf32, #tpu.memory_space<vmem>>, vector<8x256xf32>
      tpu.vector_store %arg7[%swap3A_87, %swap3A_88], %broadcast_in_dim3A_86 {strides = array<i32>} : memref<8x256xf32, #tpu.memory_space<vmem>>, vector<8x256xf32>,
    } else {
    }
    %get3A_66 = arith.constant 0 : index
    %get3A_67 = arith.constant 0 : index
    %get3A_68 = vector.load %arg7[%get3A_66, %get3A_67] : memref<8x256xf32, #tpu.memory_space<vmem>>, vector<1x256xf32>
    %reduce_sum3A = arith.constant dense<0.000000e+00> : vector<256xf32>
    %reduce_sum3A_69 = vector.multi_reduction <add>, %dot_general3A_60, %reduce_sum3A [0] : vector<512x256xf32> to vector<256xf32>
    %broadcast_in_dim3A = vector.shape_cast %reduce_sum3A_69 : vector<256xf32> to vector<1x256xf32>
    %add3A_70 = arith.addf %get3A_68, %broadcast_in_dim3A : vector<1x256xf32>
    %swap3A_71 = arith.constant 0 : index
    %swap3A_72 = arith.constant 0 : index
    %swap3A_73 = vector.load %arg7[%swap3A_71, %swap3A_72] : memref<8x256xf32, #tpu.memory_space<vmem>>, vector<1x256xf32>
    tpu.vector_store %arg7[%swap3A_71, %swap3A_72], %add3A_70 {strides = array<i32>} : memref<8x256xf32, #tpu.memory_space<vmem>>, vector<1x256xf32>,
    %get3A_74 = arith.constant 1 : index
    %get3A_75 = arith.constant 0 : index
    %get3A_76 = vector.load %arg7[%get3A_74, %get3A_75] : memref<8x256xf32, #tpu.memory_space<vmem>>, vector<1x256xf32>
    %mul3A_77 = arith.mulf %dot_general3A_60, %dot_general3A_60 : vector<512x256xf32>
    %reduce_sum3A_78 = arith.constant dense<0.000000e+00> : vector<256xf32>
    %reduce_sum3A_79 = vector.multi_reduction <add>, %mul3A_77, %reduce_sum3A_78 [0] : vector<512x256xf32> to vector<256xf32>
    %broadcast_in_dim3A_80 = vector.shape_cast %reduce_sum3A_79 : vector<256xf32> to vector<1x256xf32>
    %add3A_81 = arith.addf %get3A_76, %broadcast_in_dim3A_80 : vector<1x256xf32>
    %swap3A_82 = arith.constant 1 : index
    %swap3A_83 = arith.constant 0 : index
    %swap3A_84 = vector.load %arg7[%swap3A_82, %swap3A_83] : memref<8x256xf32, #tpu.memory_space<vmem>>, vector<1x256xf32>
    tpu.vector_store %arg7[%swap3A_82, %swap3A_83], %add3A_81 {strides = array<i32>} : memref<8x256xf32, #tpu.memory_space<vmem>>, vector<1x256xf32>,
    return
  }
  func.func @transform_0(%arg0: i32) -> (i32, i32) {
    %c0_i32 = arith.constant 0 : i32
    %c0_i32_0 = arith.constant 0 : i32
    return %arg0, %c0_i32 : i32, i32
  }
  func.func @transform_1(%arg0: i32) -> (i32, i32) {
    %c0_i32 = arith.constant 0 : i32
    %c0_i32_0 = arith.constant 0 : i32
    return %arg0, %c0_i32 : i32, i32
  }
  func.func @transform_2(%arg0: i32) -> (i32, i32) {
    %c0_i32 = arith.constant 0 : i32
    %c0_i32_0 = arith.constant 0 : i32
    return %arg0, %c0_i32 : i32, i32
  }
  func.func @transform_3(%arg0: i32) -> (i32, i32) {
    %c0_i32 = arith.constant 0 : i32
    %c0_i32_0 = arith.constant 0 : i32
    %c0_i32_1 = arith.constant 0 : i32
    return %c0_i32, %c0_i32_0 : i32, i32
  }
  func.func @transform_4(%arg0: i32) -> (i32, i32) {
    %c0_i32 = arith.constant 0 : i32
    %c0_i32_0 = arith.constant 0 : i32
    %c0_i32_1 = arith.constant 0 : i32
    return %c0_i32, %c0_i32_0 : i32, i32
  }
  func.func @transform_5(%arg0: i32) -> (i32, i32) {
    %c0_i32 = arith.constant 0 : i32
    %c0_i32_0 = arith.constant 0 : i32
    return %arg0, %c0_i32 : i32, i32
  }
  func.func @transform_6(%arg0: i32) -> (i32, i32) {
    %c0_i32 = arith.constant 0 : i32
    %c0_i32_0 = arith.constant 0 : i32
    %c0_i32_1 = arith.constant 0 : i32
    return %c0_i32, %c0_i32_0 : i32, i32
  }
}

module attributes {stable_mosaic.version = 14 : i64} {
  func.func @_logits_body(%arg0: i32, %arg1: memref<512x256xf32, #tpu.memory_space<vmem>>, %arg2: memref<8x256xf32, #tpu.memory_space<vmem>>, %arg3: memref<256x8xf32, #tpu.memory_space<vmem>>, %arg4: memref<8x8xf32, #tpu.memory_space<vmem>>, %arg5: memref<512x8xf32, #tpu.memory_space<vmem>>) attributes {dimension_semantics = [#tpu.dimension_semantics<arbitrary>], iteration_bounds = array<i64: 16>, scalar_prefetch = 0 : i64, scratch_operands = 0 : i64, tpu.core_type = #tpu.core_type<tc>, window_params = [{transform_indices = @transform_0, window_bounds = array<i64: 512, 256>}, {pipeline_mode = #tpu.pipeline_mode<synchronous>, transform_indices = @transform_1, window_bounds = array<i64: 8, 256>}, {pipeline_mode = #tpu.pipeline_mode<synchronous>, transform_indices = @transform_2, window_bounds = array<i64: 256, 8>}, {pipeline_mode = #tpu.pipeline_mode<synchronous>, transform_indices = @transform_3, window_bounds = array<i64: 8, 8>}, {transform_indices = @transform_4, window_bounds = array<i64: 512, 8>}]} {
    %get3A = arith.constant 0 : index
    %get3A_0 = arith.constant 0 : index
    %get3A_1 = vector.load %arg1[%get3A, %get3A_0] : memref<512x256xf32, #tpu.memory_space<vmem>>, vector<512x256xf32>
    %get3A_2 = arith.constant 0 : index
    %get3A_3 = arith.constant 0 : index
    %get3A_4 = vector.load %arg2[%get3A_2, %get3A_3] : memref<8x256xf32, #tpu.memory_space<vmem>>, vector<1x256xf32>
    %sub3A = vector.broadcast %get3A_4 : vector<1x256xf32> to vector<512x256xf32>
    %sub3A_5 = arith.subf %get3A_1, %sub3A : vector<512x256xf32>
    %get3A_6 = arith.constant 1 : index
    %get3A_7 = arith.constant 0 : index
    %get3A_8 = vector.load %arg2[%get3A_6, %get3A_7] : memref<8x256xf32, #tpu.memory_space<vmem>>, vector<1x256xf32>
    %div3A = vector.broadcast %get3A_8 : vector<1x256xf32> to vector<512x256xf32>
    %div3A_9 = arith.divf %sub3A_5, %div3A : vector<512x256xf32>
    %get3A_10 = arith.constant 2 : index
    %get3A_11 = arith.constant 0 : index
    %get3A_12 = vector.load %arg2[%get3A_10, %get3A_11] : memref<8x256xf32, #tpu.memory_space<vmem>>, vector<1x256xf32>
    %mul3A = vector.broadcast %get3A_12 : vector<1x256xf32> to vector<512x256xf32>
    %mul3A_13 = arith.mulf %div3A_9, %mul3A : vector<512x256xf32>
    %get3A_14 = arith.constant 3 : index
    %get3A_15 = arith.constant 0 : index
    %get3A_16 = vector.load %arg2[%get3A_14, %get3A_15] : memref<8x256xf32, #tpu.memory_space<vmem>>, vector<1x256xf32>
    %add3A = vector.broadcast %get3A_16 : vector<1x256xf32> to vector<512x256xf32>
    %add3A_17 = arith.addf %mul3A_13, %add3A : vector<512x256xf32>
    %ge3A = arith.constant 0.000000e+00 : f32
    %ge3A_18 = vector.broadcast %ge3A : f32 to vector<512x256xf32>
    %ge3A_19 = arith.cmpf oge, %add3A_17, %ge3A_18 : vector<512x256xf32>
    %mul3A_20 = arith.constant 2.000000e-01 : f32
    %mul3A_21 = vector.broadcast %mul3A_20 : f32 to vector<512x256xf32>
    %mul3A_22 = arith.mulf %mul3A_21, %add3A_17 : vector<512x256xf32>
    %select_n3A = arith.select %ge3A_19, %add3A_17, %mul3A_22 : vector<512x256xi1>, vector<512x256xf32>
    %convert_element_type3A = arith.truncf %select_n3A : vector<512x256xf32> to vector<512x256xbf16>
    %convert_element_type3A_23 = arith.extf %convert_element_type3A : vector<512x256xbf16> to vector<512x256xf32>
    %get3A_24 = arith.constant 0 : index
    %get3A_25 = arith.constant 0 : index
    %get3A_26 = vector.load %arg3[%get3A_24, %get3A_25] : memref<256x8xf32, #tpu.memory_space<vmem>>, vector<256x8xf32>
    %dot_general3A = arith.constant dense<0.000000e+00> : vector<512x8xf32>
    %dot_general3A_27 = tpu.matmul %convert_element_type3A_23, %get3A_26, %dot_general3A {dimension_numbers = #tpu.dot_dimension_numbers<[1], [0], [0], [1], [0, 0, 1, 1], [], []>, transpose_lhs_hint = false} : vector<512x256xf32>, vector<256x8xf32>, vector<512x8xf32> -> vector<512x8xf32>
    %get3A_28 = arith.constant 0 : index
    %get3A_29 = arith.constant 0 : index
    %get3A_30 = vector.load %arg4[%get3A_28, %get3A_29] : memref<8x8xf32, #tpu.memory_space<vmem>>, vector<1x8xf32>
    %add3A_31 = vector.broadcast %get3A_30 : vector<1x8xf32> to vector<512x8xf32>
    %add3A_32 = arith.addf %dot_general3A_27, %add3A_31 : vector<512x8xf32>
    %swap3A = arith.constant 0 : index
    %swap3A_33 = arith.constant 0 : index
    %swap3A_34 = vector.load %arg5[%swap3A, %swap3A_33] : memref<512x8xf32, #tpu.memory_space<vmem>>, vector<512x8xf32>
    tpu.vector_store %arg5[%swap3A, %swap3A_33], %add3A_32 {strides = array<i32>} : memref<512x8xf32, #tpu.memory_space<vmem>>, vector<512x8xf32>,
    return
  }
  func.func @transform_0(%arg0: i32) -> (i32, i32) {
    %c0_i32 = arith.constant 0 : i32
    %c0_i32_0 = arith.constant 0 : i32
    return %arg0, %c0_i32 : i32, i32
  }
  func.func @transform_1(%arg0: i32) -> (i32, i32) {
    %c0_i32 = arith.constant 0 : i32
    %c0_i32_0 = arith.constant 0 : i32
    %c0_i32_1 = arith.constant 0 : i32
    return %c0_i32, %c0_i32_0 : i32, i32
  }
  func.func @transform_2(%arg0: i32) -> (i32, i32) {
    %c0_i32 = arith.constant 0 : i32
    %c0_i32_0 = arith.constant 0 : i32
    %c0_i32_1 = arith.constant 0 : i32
    return %c0_i32, %c0_i32_0 : i32, i32
  }
  func.func @transform_3(%arg0: i32) -> (i32, i32) {
    %c0_i32 = arith.constant 0 : i32
    %c0_i32_0 = arith.constant 0 : i32
    %c0_i32_1 = arith.constant 0 : i32
    return %c0_i32, %c0_i32_0 : i32, i32
  }
  func.func @transform_4(%arg0: i32) -> (i32, i32) {
    %c0_i32 = arith.constant 0 : i32
    %c0_i32_0 = arith.constant 0 : i32
    return %arg0, %c0_i32 : i32, i32
  }
}

</mosaic_0001>

<sc_bundles>
// kernel: kernel.15.cloned.1.call-start
scs
__scs_entry_jumppad:
0x0: {  	(pc) =	sbr.rel $0x88, $3  }
0x1: {  	(tag) =	ssettag $0x0;
	lr =	simm.s32 $0x1  }
0x2: {  	[smem:$0x3F90] =	sst lr;
	_ =	strace $0xD0000000  }
0x3: {  	_ = 	snop  }
0x4: {  	_ = 	snop  }
0x5: {  	_ = 	snop  }
0x6: {  	_ = 	snop  }
0x7: {  	_ = 	snop  }
__scs_overlays_trampoline_lowered:
0x8: {  	[smem:$0x3F9F] =	sst s0  }
0x9: {  	[smem:$0x3FA0] =	sst s1  }
0xa: {  	[smem:$0x3FA1] =	sst s2  }
0xb: {  	[smem:$0x3FA2] =	sst s3  }
0xc: {  	[smem:$0x3FA3] =	sst s4  }
0xd: {  	[smem:$0x3FA4] =	sst s5  }
0xe: {  	[smem:$0x3FA5] =	sst s6  }
0xf: {  	[smem:$0x3FA6] =	sst s7  }
0x10: {  	[smem:$0x3FA7] =	sst s8  }
0x11: {  	[smem:$0x3FA8] =	sst s9;
	s0 =	simm.s32 @!p0 $0x0  }
0x12: {  	s1 =	sld [smem:$0x3F8E];
	s0 =	simm.s32 @p0 $0x1  }
0x13: {  	[smem:$0x3FA9] =	sst s0;
	s0 =	simm.s32 @!p1 $0x0  }
0x14: {  	s2 =	sld [smem:$0x3F8D];
	s0 =	simm.s32 @p1 $0x1  }
0x15: {  	[smem:$0x3FAA] =	sst s0;
	s0 =	simm.s32 @!p2 $0x0  }
0x16: {  	s3 =	sld [smem:$0x3FDB];
	s0 =	simm.s32 @p2 $0x1  }
0x17: {  	s4 =	simm.s32 $0x1BF5;
	[smem:$0x3FAC] =	sst s0  }
0x18: {  	s0 =	sld [smem:$0x3F8F];
	_ =	swait.ge [sflag:s4], $0x0  }
0x19: {  	s7 =	sld [smem:$0x3F90]  }
0x1a: {  	s8 =	sadd.s32 $0xFFFFE003, lr  }
0x1b: {  	s9 =	sadd.s32 $0xFFFFFEF7, lr;
	s5 =	simm.s32 $0xFFFFFFFF;
	p2 =	slt.u32 s8, $0xFFFFF086  }
0x1c: {  	p1 =	slt.u32 s9, $0xF7A;
	s5 =	simm.s32 @!p2 $0x0  }
0x1d: {  	s5 =	simm.s32 @p1 $0x1;
	p0 =	seq.s32 s7, s2  }
0x1e: {  	s7 =	smul.u32 @!p0 $0xF7A, s2;
	p2 =	seq.s32 @!p0 s5, $0x0  }
0x1f: {  	s9 =	smul.u32 $0xF7A, s1;
	s8 =	simm.s32 @!p0 $0x1BF5;
	p2 =	por !p2, p0  }
0x20: {  	[sflag:s8] =	ssyncset.s32 @!p0 $0xFFFFF086;
	s6 =	sadd.s32 @!p0 s3, s7;
	s7 =	simm.s32 @!p0 $0x108  }
0x21: {  	s3 =	sadd.s32 s3, s9;
	s6 =	sadd.s32 @!p0 $0x88, s6;
	s7 =	simm.s32 @p2 $0x1082  }
0x22: {  	[simem:s7], [sflag:s8] =	dma.local @!p0 [hbm:s6], $0xF7A  }
0x23: {  	s9 =	sor.u32 $0xD0000000, s2;
	s6 =	simm.s32 $0x108;
	_ =	swait.ge @!p0 [sflag:s8], $0x0  }
0x24: {  	s3 =	sadd.s32 $0x88, s3;
	s6 =	simm.s32 @!p1 $0x1082;
	[sflag:s4] =	ssyncset.s32 $0xFFFFF086  }
0x25: {  	[simem:s6], [sflag:s4] =	dma.local [hbm:s3], $0xF7A  }
0x26: {  	[smem:$0x3F90] =	sst s1;
	(tag) =	ssettag s2;
	_ =	strace s9  }
0x27: {  	s1 =	sld [smem:$0x3FA0]  }
0x28: {  	s2 =	sld [smem:$0x3FA1]  }
0x29: {  	s4 =	sld [smem:$0x3FA3]  }
0x2a: {  	p0 =	seq.s32 s5, $0x0;
	s5 =	sld [smem:$0x3FA4]  }
0x2b: {  	s6 =	sld [smem:$0x3FA5]  }
0x2c: {  	s7 =	sld [smem:$0x3FA6]  }
0x2d: {  	s3 =	simm.s32 $0x108;
	s8 =	sld [smem:$0x3FA7]  }
0x2e: {  	s3 =	simm.s32 @!p0 $0x1082;
	s9 =	sld [smem:$0x3FA8]  }
0x2f: {  	lr =	sadd.s32 s0, s3;
	s0 =	sld [smem:$0x3F9F]  }
0x30: {  	s3 =	sld [smem:$0x3FA2]  }
0x31: {  	[smem:$0x3FAB] =	sst s10  }
0x32: {  	s10 =	sld [smem:$0x3FA9];
	_ =	sdelay $0x3  }
0x33: {  	p0 =	seq.s32 s10, $0x1;
	s10 =	sld [smem:$0x3FAB];
	_ =	sdelay $0x3  }
0x34: {  	[smem:$0x3FAB] =	sst s10  }
0x35: {  	s10 =	sld [smem:$0x3FAA];
	_ =	sdelay $0x3  }
0x36: {  	p1 =	seq.s32 s10, $0x1;
	s10 =	sld [smem:$0x3FAB];
	_ =	sdelay $0x3  }
0x37: {  	[smem:$0x3FAB] =	sst s10  }
0x38: {  	s10 =	sld [smem:$0x3FAC]  }
0x39: {  	_ = 	snop;
	(pc) =	sbr.ind lr, $3  }
0x3a: {  	_ = 	snop  }
0x3b: {  	_ = 	snop  }
0x3c: {  	p2 =	seq.s32 s10, $0x1;
	s10 =	sld [smem:$0x3FAB]  }
0x3d: {  	_ =	shalt  }
0x3e: {  	_ =	shalt  }
0x3f: {  	_ =	shalt  }
0x40: {  	_ =	shalt  }
0x41: {  	_ =	shalt  }
0x42: {  	_ =	shalt  }
0x43: {  	_ =	shalt  }
0x44: {  	_ =	shalt  }
0x45: {  	_ =	shalt  }
0x46: {  	_ =	shalt  }
0x47: {  	_ =	shalt  }
0x48: {  	_ =	shalt  }
0x49: {  	_ =	shalt  }
0x4a: {  	_ =	shalt  }
0x4b: {  	_ =	shalt  }
0x4c: {  	_ =	shalt  }
0x4d: {  	_ =	shalt  }
0x4e: {  	_ =	shalt  }
0x4f: {  	_ =	shalt  }
0x50: {  	_ =	shalt  }
0x51: {  	_ =	shalt  }
0x52: {  	_ =	shalt  }
0x53: {  	_ =	shalt  }
0x54: {  	_ =	shalt  }
0x55: {  	_ =	shalt  }
0x56: {  	_ =	shalt  }
0x57: {  	_ =	shalt  }
0x58: {  	_ =	shalt  }
0x59: {  	_ =	shalt  }
0x5a: {  	_ =	shalt  }
0x5b: {  	_ =	shalt  }
0x5c: {  	_ =	shalt  }
0x5d: {  	_ =	shalt  }
0x5e: {  	_ =	shalt  }
0x5f: {  	_ =	shalt  }
0x60: {  	_ =	shalt  }
0x61: {  	_ =	shalt  }
0x62: {  	_ =	shalt  }
0x63: {  	_ =	shalt  }
0x64: {  	_ =	shalt  }
0x65: {  	_ =	shalt  }
0x66: {  	_ =	shalt  }
0x67: {  	_ =	shalt  }
0x68: {  	_ =	shalt  }
0x69: {  	_ =	shalt  }
0x6a: {  	_ =	shalt  }
0x6b: {  	_ =	shalt  }
0x6c: {  	_ =	shalt  }
0x6d: {  	_ =	shalt  }
0x6e: {  	_ =	shalt  }
0x6f: {  	_ =	shalt  }
0x70: {  	_ =	shalt  }
0x71: {  	_ =	shalt  }
0x72: {  	_ =	shalt  }
0x73: {  	_ =	shalt  }
0x74: {  	_ =	shalt  }
0x75: {  	_ =	shalt  }
0x76: {  	_ =	shalt  }
0x77: {  	_ =	shalt  }
0x78: {  	_ =	shalt  }
0x79: {  	_ =	shalt  }
0x7a: {  	_ =	shalt  }
0x7b: {  	_ =	shalt  }
0x7c: {  	_ =	shalt  }
0x7d: {  	_ =	shalt  }
0x7e: {  	_ =	shalt  }
0x7f: {  	_ =	shalt  }
0x80: {  	_ =	shalt  }
0x81: {  	_ =	shalt  }
0x82: {  	_ =	shalt  }
0x83: {  	_ =	shalt  }
0x84: {  	_ =	shalt  }
0x85: {  	_ =	shalt  }
0x86: {  	_ =	shalt  }
0x87: {  	_ =	shalt  }
.Lfunc_end0:
.L_simem_size_0:
called_computation_lowered:
.L_overlay_start_0:
0x88: {  	s2 =	sld [smem:$0x3FD9]  }
0x89: {  	s3 =	sld [smem:$0x3FFE];
	_ =	sdelay $0x1  }
0x8a: {  	s1 =	srdreg.scid  }
0x8b: {  	s0 =	sand.u32 $0x1, s1  }
0x8c: {  	s16 =	sshll.u32 s0, $0xA;
	s2 =	sadd.s32 s3, s2  }
0x8d: {  	s2 =	sadd.s32 s2, s16  }
0x8e: {  	[smem:$0x3FB7] =	sst s2  }
0x8f: {  	_ = 	snop  }
0x90: {  	(tm) =	ssettm $0x1  }
0x91: {  	s17 =	sld [smem:$0x3FFB];
	_ =	sdelay $0x3  }
0x92: {  	_ =	strace s17  }
0x93: {  	s2 =	sld [smem:$0x3FFC];
	_ =	sdelay $0x3  }
0x94: {  	_ =	strace s2  }
0x95: {  	s2 =	sld [smem:$0x3FFD];
	_ =	sdelay $0x3  }
0x96: {  	_ =	strace s2  }
0x97: {  	_ =	strace $0x8FFFFFFF  }
0x98: {  	s18 =	sld [smem:$0x3FDB];
	_ =	sdelay $0x1  }
0x99: {  	s19 =	simm.s32 $_scs_section_size  }
0x9a: {  	s4 =	simm.s32 $_size__tile_overlayer_lowered;
	s5 =	simm.s32 $_tile_overlayer_lowered  }
0x9b: {  	s22 =	simm.s32 $0x1BFF;
	s21 =	sshll.u32 s5, $0x1;
	s2 =	sadd.s32 s19, s18  }
0x9c: {  	s6 =	simm.s32 $0x0;
	s20 =	sshll.u32 s4, $0x1;
	s4 =	sadd.s32 s21, s2  }
0x9d: {  	[timem:s6], [sflag:s22] =	dma.local [hbm:s4], s20  }
0x9e: {  	_ =	swait.ge [sflag:s22], s20  }
0x9f: {  	s3 =	ssub.s32 $0x0, s20;
	[sflag:s22] =	ssyncset.done $0x0  }
0xa0: {  	[sflag:s22] =	ssyncadd.s32 s3;
	_ =	sdelay $0x1  }
0xa1: {  	s23 =	simm.s32 $0x1B8B  }
0xa2: {  	_ =	swait.ge [sflag:s23], $0x1  }
0xa3: {  	[sflag:s23] =	ssyncset.done $0x0  }
0xa4: {  	s25 =	simm.s32 $0x1B8E;
	s24 =	sld [smem:$0x3FFE];
	[sflag:s23] =	ssyncadd.s32 $0xFFFFFFFF  }
0xa5: {  	s26 =	simm.s32 $execute0_lowered;
	[smem:$0x3FD2] =	sst s25  }
0xa6: {  	s4 =	sshll.u32 s26, $0x1;
	_ =	strace $0x80000046;
	[dreg:$0x1] =	wrdreg $0xFFFFFFFF  }
0xa7: {  	s28 =	simm.s32 $_size_execute0_lowered;
	s2 =	sadd.s32 s2, s4;
	[dreg:$0x0] =	wrdreg $0x0  }
0xa8: {  	s4 =	sshll.u32 s28, $0x1;
	[dreg:$0x2] =	wrdreg s2  }
0xa9: {  	[dreg:$0x3] =	wrdreg s4  }
0xaa: {  	[dreg:$0x4] =	wrdreg $0xC0  }
0xab: {  	_ =	task [dreg:s6], $0x5FFFF  }
0xac: {  	[dreg:$0x1] =	wrdreg $0xFFFFFFFF  }
0xad: {  	[dreg:$0x0] =	wrdreg $0x60  }
0xae: {  	[dreg:$0x2] =	wrdreg s24  }
0xaf: {  	[dreg:$0x3] =	wrdreg $0x9  }
0xb0: {  	_ =	task.clear_ibuf [dreg:s6], $0x4FFFF;
	_ =	strace $0x90000046  }
0xb1: {  	s29 =	simm.s32 $0x9;
	_ =	strace $0x80000048  }
0xb2: {  	_ =	swait.ge [sflag:s29], $0x1  }
0xb3: {  	[sflag:s29] =	ssyncadd.s32 $0xFFFFFFFF  }
0xb4: {  	_ =	strace $0x90000048  }
0xb5: {  	_ =	sfence  }
0xb6: {  	s30 =	sld [smem:$0x0];
	_ =	sdelay $0x2  }
0xb7: {  	s31 =	sshll.u32 s1, $0xD;
	s1 =	sshrl.u32 s1, $0x2  }
0xb8: {  	s3 =	sand.u32 $0x4000, s31;
	s1 =	sadd.s32 s1, s30  }
0xb9: {  	s0 =	sor.u32 s3, s0;
	s1 =	sshll.u32 s1, $0x11  }
0xba: {  	s0 =	sor.u32 s1, s0  }
0xbb: {  	s0 =	sadd.s32 $0x8F2B, s0  }
0xbc: {  	[sflag:s0] =	ssyncadd.remote.s32 $0x1  }
0xbd: {  	_ =	sfence.sel $0xFFFF  }
0xbe: {  	[dreg:$0x0] =	wrdreg $0xFFFFFFFF;
	(pc) =	sbr.abs _section_cstart, $3  }
0xbf: {  	[dreg:$0x1] =	wrdreg $0xFFFFFFFF  }
0xc0: {  	_ =	task.clear_ibuf [dreg:s6], $0x2FFFF;
	_ =	strace $0x9FFFFFFF  }
0xc1: {  	(tm) =	ssettm $0x7FFFFFFF  }
tec
execute0_lowered:
.L_overlay_start_1:
0x0: {  	(tag) =	ssettag $0x1  }
0x1: {  	s4 =	rddreg [dreg:$0x0]  }
0x2: {  	s0 =	rddreg [dreg:$0x1];
	s2 =	simm.s32 $0x0;
	s3 =	srdreg.scid  }
0x3: {  	s1 =	stileid.u32;
	s10 =	simm.s32 $0x0;
	[smem:$0x7FF] =	sst s2  }
0x4: {  	s5 =	sand.u32 $0x1, s3;
	s6 =	sshll.u32 s1, $0xE;
	s3 =	sadd.s32 $0x2B800, s4  }
0x5: {  	s8 =	sshll.u32 s1, $0xF;
	_ =	strace $0x80000047;
	s7 =	sshll.u32 s5, $0xD  }
0x6: {  	s31 =	ssub.s32 $0x2, s5;
	s8 =	sadd.s32 s8, s4;
	s5 =	sshll.u32 s5, $0xE  }
0x7: {  	s6 =	sor.u32 s7, s6;
	s9 =	sshrl.u32 s31, $0x1;
	s5 =	sadd.s32 s5, s8  }
0x8: {  	s8 =	simm.s32 $0x80;
	s6 =	sshrl.u32 s6, $0x3;
	s7 =	ssub.s32 s31, s9  }
0x9: {  	s5 =	sadd.s32 $0x2F800, s5;
	s9 =	simm.s32 $0x1;
	s6 =	sadd.s32 s6, s4  }
0xa: {  	s4 =	smax.u32 s7, $0x1;
	s7 =	simm.s32 $0x2;
	s6 =	sadd.s32 $0x23800, s6  }
.LBB2_1:
0xb: {  	s11 =	sadd.s32 $0x0, s6  }
0xc: {  	[tilespmem:s2], [sflag:$0x2] =	stream.linear.gather [hbm4b:s11+s2], $0x80, $0x38;
	[tilespmem:$0x880] =	vst v63  }
0xd: {  	_ =	swait.ge [sflag:s7], $0x80  }
0xe: {  	[sflag:s7] =	ssyncset.done $0x0  }
0xf: {  	[sflag:s7] =	ssyncadd.s32 $0xFFFFFF80  }
0x10: {  	[tilespmem:s8], [sflag:$0x1] =	stream.indirect.gather [hbm4b:s3+s8], $0x10, s2, s8, $0xb8;
	[tilespmem:$0x880] =	vst v63  }
0x11: {  	_ =	swait.ge [sflag:s9], $0x800  }
0x12: {  	[sflag:s9] =	ssyncset.done $0x0  }
0x13: {  	[sflag:s9] =	ssyncadd.s32 $0xFFFFF800  }
0x14: {  	[hbm4b:s5+s2] =	stream.linear.scatter [tilespmem:s8], [sflag:$0x2], $0x800, $0x38;
	[tilespmem:$0x880] =	vst v63  }
0x15: {  	s12 =	simm.s32 $0x10;
	_ =	swait.ge [sflag:s7], $0x800  }
0x16: {  	s13 =	simm.s32 $0x20;
	s11 =	sadd.s32 $0x100, s5;
	[sflag:s7] =	ssyncset.done $0x0  }
.LBB2_2:
0x17: {  	s14 =	sadd.s32 s12, s6  }
0x18: {  	[sflag:s7] =	ssyncadd.s32 $0xFFFFF800;
	s12 =	smov.u32 s13;
	s15 =	sadd.s32 $0x10, s13  }
0x19: {  	[tilespmem:s2], [sflag:$0x2] =	stream.linear.gather [hbm4b:s14+s2], $0x80, $0x38;
	[tilespmem:$0x880] =	vst v63  }
0x1a: {  	p0 =	sne.s32 s13, $0x3F0;
	_ =	swait.ge [sflag:s7], $0x80  }
0x1b: {  	[sflag:s7] =	ssyncset.done $0x0  }
0x1c: {  	[sflag:s7] =	ssyncadd.s32 $0xFFFFFF80  }
0x1d: {  	[tilespmem:s8], [sflag:$0x1] =	stream.indirect.gather [hbm4b:s3+s8], $0x10, s2, s8, $0xb8;
	[tilespmem:$0x880] =	vst v63  }
0x1e: {  	_ =	swait.ge [sflag:s9], $0x800  }
.Ltmp0:
0x1f: {  	[sflag:s9] =	ssyncset.done $0x0;
	(pc) =	sbr.rel @p0 .LBB2_2-.Ltmp0, $4  }
0x20: {  	[sflag:s9] =	ssyncadd.s32 $0xFFFFF800  }
0x21: {  	[hbm4b:s11+s2] =	stream.linear.scatter [tilespmem:s8], [sflag:$0x2], $0x800, $0x38;
	[tilespmem:$0x880] =	vst v63  }
0x22: {  	_ =	swait.ge [sflag:s7], $0x800  }
0x23: {  	s13 =	smov.u32 s15;
	s11 =	sadd.s32 $0x100, s11;
	[sflag:s7] =	ssyncset.done $0x0  }
0x24: {  	s12 =	sadd.s32 s12, s6;
	[sflag:s7] =	ssyncadd.s32 $0xFFFFF800  }
0x25: {  	[tilespmem:s2], [sflag:$0x2] =	stream.linear.gather [hbm4b:s12+s2], $0x80, $0x38;
	[tilespmem:$0x880] =	vst v63  }
0x26: {  	_ =	swait.ge [sflag:s7], $0x80  }
0x27: {  	[sflag:s7] =	ssyncset.done $0x0  }
0x28: {  	[sflag:s7] =	ssyncadd.s32 $0xFFFFFF80  }
0x29: {  	[tilespmem:s8], [sflag:$0x1] =	stream.indirect.gather [hbm4b:s3+s8], $0x10, s2, s8, $0xb8;
	[tilespmem:$0x880] =	vst v63  }
0x2a: {  	s10 =	sadd.s32 $0x1, s10;
	_ =	swait.ge [sflag:s9], $0x800  }
0x2b: {  	p0 =	sne.s32 s10, s4;
	[sflag:s9] =	ssyncset.done $0x0  }
.Ltmp1:
0x2c: {  	[sflag:s9] =	ssyncadd.s32 $0xFFFFF800;
	(pc) =	sbr.rel @p0 .LBB2_1-.Ltmp1, $4  }
0x2d: {  	[hbm4b:s11+s2] =	stream.linear.scatter [tilespmem:s8], [sflag:$0x2], $0x800, $0x38;
	[tilespmem:$0x880] =	vst v63  }
0x2e: {  	_ =	swait.ge [sflag:s7], $0x800  }
0x2f: {  	[sflag:s7] =	ssyncset.done $0x0  }
0x30: {  	[sflag:s7] =	ssyncadd.s32 $0xFFFFF800  }
0x31: {  	_ =	sfence.sel $0x180000  }
0x32: {  	[bflag:$0x0] =	sbarrier.arrive $0xFFFF  }
0x33: {  	p0 =	sne.s32 s1, $0x0;
	_ =	strace $0x90000047  }
0x34: {  	s0 =	sadd.s32 @!p0 $0x100000, s0;
	[bflag:$0x2] =	sbarrier.arrive $0xFFFF  }
0x35: {  	[sflag:s0] =	ssyncadd.tile.s32 @!p0 $0x1;
	_ =	shalt  }
.Lfunc_end2:
_tile_overlayer_lowered:
.L_overlay_start_2:
0x36: {  	(tag) =	ssettag $0x2  }
0x37: {  	s0 =	rddreg [dreg:$0x0];
	s2 =	stileid.u32  }
0x38: {  	s1 =	rddreg [dreg:$0x1];
	p0 =	sne.s32 s2, $0x0  }
0x39: {  	s3 =	rddreg [dreg:$0x2];
	[bflag:$0x3] =	sbarrier.arrive $0xFFFF;
	s2 =	simm.s32 @!p0 $0x1C02  }
0x3a: {  	[timem:s3], [sflag:s2] =	dma.local @!p0 [hbm:s0], s1  }
0x3b: {  	s0 =	simm.s32 @!p0 $0x2  }
0x3c: {  	_ =	swait.ge @!p0 [sflag:s0], s1  }
0x3d: {  	s1 =	ssub.s32 @!p0 $0x0, s1;
	[sflag:s0] =	ssyncset.done @!p0 $0x0  }
0x3e: {  	[sflag:s0] =	ssyncadd.s32 @!p0 s1  }
0x3f: {  	[bflag:$0x3] =	sbarrier.arrive $0xFFFF  }
0x40: {  	_ =	shalt  }

// kernel: kernel.18.cloned.1.call-start
scs
__scs_entry_jumppad:
0x0: {  	(pc) =	sbr.rel $0x88, $3  }
0x1: {  	(tag) =	ssettag $0x0;
	lr =	simm.s32 $0x1  }
0x2: {  	[smem:$0x3F90] =	sst lr;
	_ =	strace $0xD0000000  }
0x3: {  	_ = 	snop  }
0x4: {  	_ = 	snop  }
0x5: {  	_ = 	snop  }
0x6: {  	_ = 	snop  }
0x7: {  	_ = 	snop  }
__scs_overlays_trampoline_lowered:
0x8: {  	[smem:$0x3F9F] =	sst s0  }
0x9: {  	[smem:$0x3FA0] =	sst s1  }
0xa: {  	[smem:$0x3FA1] =	sst s2  }
0xb: {  	[smem:$0x3FA2] =	sst s3  }
0xc: {  	[smem:$0x3FA3] =	sst s4  }
0xd: {  	[smem:$0x3FA4] =	sst s5  }
0xe: {  	[smem:$0x3FA5] =	sst s6  }
0xf: {  	[smem:$0x3FA6] =	sst s7  }
0x10: {  	[smem:$0x3FA7] =	sst s8  }
0x11: {  	[smem:$0x3FA8] =	sst s9;
	s0 =	simm.s32 @!p0 $0x0  }
0x12: {  	s1 =	sld [smem:$0x3F8E];
	s0 =	simm.s32 @p0 $0x1  }
0x13: {  	[smem:$0x3FA9] =	sst s0;
	s0 =	simm.s32 @!p1 $0x0  }
0x14: {  	s2 =	sld [smem:$0x3F8D];
	s0 =	simm.s32 @p1 $0x1  }
0x15: {  	[smem:$0x3FAA] =	sst s0;
	s0 =	simm.s32 @!p2 $0x0  }
0x16: {  	s3 =	sld [smem:$0x3FDB];
	s0 =	simm.s32 @p2 $0x1  }
0x17: {  	s4 =	simm.s32 $0x1BF5;
	[smem:$0x3FAC] =	sst s0  }
0x18: {  	s0 =	sld [smem:$0x3F8F];
	_ =	swait.ge [sflag:s4], $0x0  }
0x19: {  	s7 =	sld [smem:$0x3F90]  }
0x1a: {  	s8 =	sadd.s32 $0xFFFFE003, lr  }
0x1b: {  	s9 =	sadd.s32 $0xFFFFFEF7, lr;
	s5 =	simm.s32 $0xFFFFFFFF;
	p2 =	slt.u32 s8, $0xFFFFF086  }
0x1c: {  	p1 =	slt.u32 s9, $0xF7A;
	s5 =	simm.s32 @!p2 $0x0  }
0x1d: {  	s5 =	simm.s32 @p1 $0x1;
	p0 =	seq.s32 s7, s2  }
0x1e: {  	s7 =	smul.u32 @!p0 $0xF7A, s2;
	p2 =	seq.s32 @!p0 s5, $0x0  }
0x1f: {  	s9 =	smul.u32 $0xF7A, s1;
	s8 =	simm.s32 @!p0 $0x1BF5;
	p2 =	por !p2, p0  }
0x20: {  	[sflag:s8] =	ssyncset.s32 @!p0 $0xFFFFF086;
	s6 =	sadd.s32 @!p0 s3, s7;
	s7 =	simm.s32 @!p0 $0x108  }
0x21: {  	s3 =	sadd.s32 s3, s9;
	s6 =	sadd.s32 @!p0 $0x88, s6;
	s7 =	simm.s32 @p2 $0x1082  }
0x22: {  	[simem:s7], [sflag:s8] =	dma.local @!p0 [hbm:s6], $0xF7A  }
0x23: {  	s9 =	sor.u32 $0xD0000000, s2;
	s6 =	simm.s32 $0x108;
	_ =	swait.ge @!p0 [sflag:s8], $0x0  }
0x24: {  	s3 =	sadd.s32 $0x88, s3;
	s6 =	simm.s32 @!p1 $0x1082;
	[sflag:s4] =	ssyncset.s32 $0xFFFFF086  }
0x25: {  	[simem:s6], [sflag:s4] =	dma.local [hbm:s3], $0xF7A  }
0x26: {  	[smem:$0x3F90] =	sst s1;
	(tag) =	ssettag s2;
	_ =	strace s9  }
0x27: {  	s1 =	sld [smem:$0x3FA0]  }
0x28: {  	s2 =	sld [smem:$0x3FA1]  }
0x29: {  	s4 =	sld [smem:$0x3FA3]  }
0x2a: {  	p0 =	seq.s32 s5, $0x0;
	s5 =	sld [smem:$0x3FA4]  }
0x2b: {  	s6 =	sld [smem:$0x3FA5]  }
0x2c: {  	s7 =	sld [smem:$0x3FA6]  }
0x2d: {  	s3 =	simm.s32 $0x108;
	s8 =	sld [smem:$0x3FA7]  }
0x2e: {  	s3 =	simm.s32 @!p0 $0x1082;
	s9 =	sld [smem:$0x3FA8]  }
0x2f: {  	lr =	sadd.s32 s0, s3;
	s0 =	sld [smem:$0x3F9F]  }
0x30: {  	s3 =	sld [smem:$0x3FA2]  }
0x31: {  	[smem:$0x3FAB] =	sst s10  }
0x32: {  	s10 =	sld [smem:$0x3FA9];
	_ =	sdelay $0x3  }
0x33: {  	p0 =	seq.s32 s10, $0x1;
	s10 =	sld [smem:$0x3FAB];
	_ =	sdelay $0x3  }
0x34: {  	[smem:$0x3FAB] =	sst s10  }
0x35: {  	s10 =	sld [smem:$0x3FAA];
	_ =	sdelay $0x3  }
0x36: {  	p1 =	seq.s32 s10, $0x1;
	s10 =	sld [smem:$0x3FAB];
	_ =	sdelay $0x3  }
0x37: {  	[smem:$0x3FAB] =	sst s10  }
0x38: {  	s10 =	sld [smem:$0x3FAC]  }
0x39: {  	_ = 	snop;
	(pc) =	sbr.ind lr, $3  }
0x3a: {  	_ = 	snop  }
0x3b: {  	_ = 	snop  }
0x3c: {  	p2 =	seq.s32 s10, $0x1;
	s10 =	sld [smem:$0x3FAB]  }
0x3d: {  	_ =	shalt  }
0x3e: {  	_ =	shalt  }
0x3f: {  	_ =	shalt  }
0x40: {  	_ =	shalt  }
0x41: {  	_ =	shalt  }
0x42: {  	_ =	shalt  }
0x43: {  	_ =	shalt  }
0x44: {  	_ =	shalt  }
0x45: {  	_ =	shalt  }
0x46: {  	_ =	shalt  }
0x47: {  	_ =	shalt  }
0x48: {  	_ =	shalt  }
0x49: {  	_ =	shalt  }
0x4a: {  	_ =	shalt  }
0x4b: {  	_ =	shalt  }
0x4c: {  	_ =	shalt  }
0x4d: {  	_ =	shalt  }
0x4e: {  	_ =	shalt  }
0x4f: {  	_ =	shalt  }
0x50: {  	_ =	shalt  }
0x51: {  	_ =	shalt  }
0x52: {  	_ =	shalt  }
0x53: {  	_ =	shalt  }
0x54: {  	_ =	shalt  }
0x55: {  	_ =	shalt  }
0x56: {  	_ =	shalt  }
0x57: {  	_ =	shalt  }
0x58: {  	_ =	shalt  }
0x59: {  	_ =	shalt  }
0x5a: {  	_ =	shalt  }
0x5b: {  	_ =	shalt  }
0x5c: {  	_ =	shalt  }
0x5d: {  	_ =	shalt  }
0x5e: {  	_ =	shalt  }
0x5f: {  	_ =	shalt  }
0x60: {  	_ =	shalt  }
0x61: {  	_ =	shalt  }
0x62: {  	_ =	shalt  }
0x63: {  	_ =	shalt  }
0x64: {  	_ =	shalt  }
0x65: {  	_ =	shalt  }
0x66: {  	_ =	shalt  }
0x67: {  	_ =	shalt  }
0x68: {  	_ =	shalt  }
0x69: {  	_ =	shalt  }
0x6a: {  	_ =	shalt  }
0x6b: {  	_ =	shalt  }
0x6c: {  	_ =	shalt  }
0x6d: {  	_ =	shalt  }
0x6e: {  	_ =	shalt  }
0x6f: {  	_ =	shalt  }
0x70: {  	_ =	shalt  }
0x71: {  	_ =	shalt  }
0x72: {  	_ =	shalt  }
0x73: {  	_ =	shalt  }
0x74: {  	_ =	shalt  }
0x75: {  	_ =	shalt  }
0x76: {  	_ =	shalt  }
0x77: {  	_ =	shalt  }
0x78: {  	_ =	shalt  }
0x79: {  	_ =	shalt  }
0x7a: {  	_ =	shalt  }
0x7b: {  	_ =	shalt  }
0x7c: {  	_ =	shalt  }
0x7d: {  	_ =	shalt  }
0x7e: {  	_ =	shalt  }
0x7f: {  	_ =	shalt  }
0x80: {  	_ =	shalt  }
0x81: {  	_ =	shalt  }
0x82: {  	_ =	shalt  }
0x83: {  	_ =	shalt  }
0x84: {  	_ =	shalt  }
0x85: {  	_ =	shalt  }
0x86: {  	_ =	shalt  }
0x87: {  	_ =	shalt  }
.Lfunc_end0:
.L_simem_size_0:
called_computation.1_lowered:
.L_overlay_start_0:
0x88: {  	s2 =	sld [smem:$0x3FD9]  }
0x89: {  	s3 =	sld [smem:$0x3FFE];
	_ =	sdelay $0x1  }
0x8a: {  	s1 =	srdreg.scid  }
0x8b: {  	s0 =	sand.u32 $0x1, s1  }
0x8c: {  	s16 =	sshll.u32 s0, $0xA;
	s2 =	sadd.s32 s3, s2  }
0x8d: {  	s2 =	sadd.s32 s2, s16  }
0x8e: {  	[smem:$0x3FB7] =	sst s2  }
0x8f: {  	_ = 	snop  }
0x90: {  	(tm) =	ssettm $0x1  }
0x91: {  	s17 =	sld [smem:$0x3FFB];
	_ =	sdelay $0x3  }
0x92: {  	_ =	strace s17  }
0x93: {  	s2 =	sld [smem:$0x3FFC];
	_ =	sdelay $0x3  }
0x94: {  	_ =	strace s2  }
0x95: {  	s2 =	sld [smem:$0x3FFD];
	_ =	sdelay $0x3  }
0x96: {  	_ =	strace s2  }
0x97: {  	_ =	strace $0x8FFFFFFF  }
0x98: {  	s18 =	sld [smem:$0x3FDB];
	_ =	sdelay $0x1  }
0x99: {  	s19 =	simm.s32 $_scs_section_size  }
0x9a: {  	s4 =	simm.s32 $_size__tile_overlayer_lowered;
	s5 =	simm.s32 $_tile_overlayer_lowered  }
0x9b: {  	s22 =	simm.s32 $0x1BFF;
	s21 =	sshll.u32 s5, $0x1;
	s2 =	sadd.s32 s19, s18  }
0x9c: {  	s6 =	simm.s32 $0x0;
	s20 =	sshll.u32 s4, $0x1;
	s4 =	sadd.s32 s21, s2  }
0x9d: {  	[timem:s6], [sflag:s22] =	dma.local [hbm:s4], s20  }
0x9e: {  	_ =	swait.ge [sflag:s22], s20  }
0x9f: {  	s3 =	ssub.s32 $0x0, s20;
	[sflag:s22] =	ssyncset.done $0x0  }
0xa0: {  	[sflag:s22] =	ssyncadd.s32 s3;
	_ =	sdelay $0x1  }
0xa1: {  	s23 =	simm.s32 $0x1B8B  }
0xa2: {  	_ =	swait.ge [sflag:s23], $0x1  }
0xa3: {  	[sflag:s23] =	ssyncset.done $0x0  }
0xa4: {  	s25 =	simm.s32 $0x1B8E;
	s24 =	sld [smem:$0x3FFE];
	[sflag:s23] =	ssyncadd.s32 $0xFFFFFFFF  }
0xa5: {  	s26 =	simm.s32 $execute0_lowered;
	[smem:$0x3FD2] =	sst s25  }
0xa6: {  	s4 =	sshll.u32 s26, $0x1;
	_ =	strace $0x80000049;
	[dreg:$0x1] =	wrdreg $0xFFFFFFFF  }
0xa7: {  	s28 =	simm.s32 $_size_execute0_lowered;
	s2 =	sadd.s32 s2, s4;
	[dreg:$0x0] =	wrdreg $0x0  }
0xa8: {  	s4 =	sshll.u32 s28, $0x1;
	[dreg:$0x2] =	wrdreg s2  }
0xa9: {  	[dreg:$0x3] =	wrdreg s4  }
0xaa: {  	[dreg:$0x4] =	wrdreg $0xC0  }
0xab: {  	_ =	task [dreg:s6], $0x5FFFF  }
0xac: {  	[dreg:$0x1] =	wrdreg $0xFFFFFFFF  }
0xad: {  	[dreg:$0x0] =	wrdreg $0x60  }
0xae: {  	[dreg:$0x2] =	wrdreg s24  }
0xaf: {  	[dreg:$0x3] =	wrdreg $0x9  }
0xb0: {  	_ =	task.clear_ibuf [dreg:s6], $0x4FFFF;
	_ =	strace $0x90000049  }
0xb1: {  	s29 =	simm.s32 $0x9;
	_ =	strace $0x8000004B  }
0xb2: {  	_ =	swait.ge [sflag:s29], $0x1  }
0xb3: {  	[sflag:s29] =	ssyncadd.s32 $0xFFFFFFFF  }
0xb4: {  	_ =	strace $0x9000004B  }
0xb5: {  	_ =	sfence  }
0xb6: {  	s30 =	sld [smem:$0x0];
	_ =	sdelay $0x2  }
0xb7: {  	s31 =	sshll.u32 s1, $0xD;
	s1 =	sshrl.u32 s1, $0x2  }
0xb8: {  	s3 =	sand.u32 $0x4000, s31;
	s1 =	sadd.s32 s1, s30  }
0xb9: {  	s0 =	sor.u32 s3, s0;
	s1 =	sshll.u32 s1, $0x11  }
0xba: {  	s0 =	sor.u32 s1, s0  }
0xbb: {  	s0 =	sadd.s32 $0x8F2B, s0  }
0xbc: {  	[sflag:s0] =	ssyncadd.remote.s32 $0x1  }
0xbd: {  	_ =	sfence.sel $0xFFFF  }
0xbe: {  	[dreg:$0x0] =	wrdreg $0xFFFFFFFF;
	(pc) =	sbr.abs _section_cstart, $3  }
0xbf: {  	[dreg:$0x1] =	wrdreg $0xFFFFFFFF  }
0xc0: {  	_ =	task.clear_ibuf [dreg:s6], $0x2FFFF;
	_ =	strace $0x9FFFFFFF  }
0xc1: {  	(tm) =	ssettm $0x7FFFFFFF  }
tec
execute0_lowered:
.L_overlay_start_1:
0x0: {  	(tag) =	ssettag $0x1  }
0x1: {  	s4 =	rddreg [dreg:$0x0]  }
0x2: {  	s0 =	rddreg [dreg:$0x1];
	s2 =	simm.s32 $0x0;
	s3 =	srdreg.scid  }
0x3: {  	s1 =	stileid.u32;
	s10 =	simm.s32 $0x0;
	[smem:$0x7FF] =	sst s2  }
0x4: {  	s5 =	sand.u32 $0x1, s3;
	s6 =	sshll.u32 s1, $0xE;
	s3 =	sadd.s32 $0x3800, s4  }
0x5: {  	s8 =	sshll.u32 s1, $0xF;
	_ =	strace $0x8000004A;
	s7 =	sshll.u32 s5, $0xD  }
0x6: {  	s31 =	ssub.s32 $0x2, s5;
	s8 =	sadd.s32 s8, s4;
	s5 =	sshll.u32 s5, $0xE  }
0x7: {  	s6 =	sor.u32 s7, s6;
	s9 =	sshrl.u32 s31, $0x1;
	s5 =	sadd.s32 s5, s8  }
0x8: {  	s8 =	simm.s32 $0x80;
	s6 =	sshrl.u32 s6, $0x3;
	s7 =	ssub.s32 s31, s9  }
0x9: {  	s5 =	sadd.s32 $0x2B800, s5;
	s9 =	simm.s32 $0x1;
	s6 =	sadd.s32 s6, s4  }
0xa: {  	s4 =	smax.u32 s7, $0x1;
	s7 =	simm.s32 $0x2;
	s6 =	sadd.s32 $0x23800, s6  }
.LBB2_1:
0xb: {  	s11 =	sadd.s32 $0x0, s6  }
0xc: {  	[tilespmem:s2], [sflag:$0x2] =	stream.linear.gather [hbm4b:s11+s2], $0x80, $0x38;
	[tilespmem:$0x880] =	vst v63  }
0xd: {  	_ =	swait.ge [sflag:s7], $0x80  }
0xe: {  	[sflag:s7] =	ssyncset.done $0x0  }
0xf: {  	[sflag:s7] =	ssyncadd.s32 $0xFFFFFF80  }
0x10: {  	[tilespmem:s8], [sflag:$0x1] =	stream.indirect.gather [hbm4b:s3+s8], $0x10, s2, s8, $0xb8;
	[tilespmem:$0x880] =	vst v63  }
0x11: {  	_ =	swait.ge [sflag:s9], $0x800  }
0x12: {  	[sflag:s9] =	ssyncset.done $0x0  }
0x13: {  	[sflag:s9] =	ssyncadd.s32 $0xFFFFF800  }
0x14: {  	[hbm4b:s5+s2] =	stream.linear.scatter [tilespmem:s8], [sflag:$0x2], $0x800, $0x38;
	[tilespmem:$0x880] =	vst v63  }
0x15: {  	s12 =	simm.s32 $0x10;
	_ =	swait.ge [sflag:s7], $0x800  }
0x16: {  	s13 =	simm.s32 $0x20;
	s11 =	sadd.s32 $0x100, s5;
	[sflag:s7] =	ssyncset.done $0x0  }
.LBB2_2:
0x17: {  	s14 =	sadd.s32 s12, s6  }
0x18: {  	[sflag:s7] =	ssyncadd.s32 $0xFFFFF800;
	s12 =	smov.u32 s13;
	s15 =	sadd.s32 $0x10, s13  }
0x19: {  	[tilespmem:s2], [sflag:$0x2] =	stream.linear.gather [hbm4b:s14+s2], $0x80, $0x38;
	[tilespmem:$0x880] =	vst v63  }
0x1a: {  	p0 =	sne.s32 s13, $0x3F0;
	_ =	swait.ge [sflag:s7], $0x80  }
0x1b: {  	[sflag:s7] =	ssyncset.done $0x0  }
0x1c: {  	[sflag:s7] =	ssyncadd.s32 $0xFFFFFF80  }
0x1d: {  	[tilespmem:s8], [sflag:$0x1] =	stream.indirect.gather [hbm4b:s3+s8], $0x10, s2, s8, $0xb8;
	[tilespmem:$0x880] =	vst v63  }
0x1e: {  	_ =	swait.ge [sflag:s9], $0x800  }
.Ltmp0:
0x1f: {  	[sflag:s9] =	ssyncset.done $0x0;
	(pc) =	sbr.rel @p0 .LBB2_2-.Ltmp0, $4  }
0x20: {  	[sflag:s9] =	ssyncadd.s32 $0xFFFFF800  }
0x21: {  	[hbm4b:s11+s2] =	stream.linear.scatter [tilespmem:s8], [sflag:$0x2], $0x800, $0x38;
	[tilespmem:$0x880] =	vst v63  }
0x22: {  	_ =	swait.ge [sflag:s7], $0x800  }
0x23: {  	s13 =	smov.u32 s15;
	s11 =	sadd.s32 $0x100, s11;
	[sflag:s7] =	ssyncset.done $0x0  }
0x24: {  	s12 =	sadd.s32 s12, s6;
	[sflag:s7] =	ssyncadd.s32 $0xFFFFF800  }
0x25: {  	[tilespmem:s2], [sflag:$0x2] =	stream.linear.gather [hbm4b:s12+s2], $0x80, $0x38;
	[tilespmem:$0x880] =	vst v63  }
0x26: {  	_ =	swait.ge [sflag:s7], $0x80  }
0x27: {  	[sflag:s7] =	ssyncset.done $0x0  }
0x28: {  	[sflag:s7] =	ssyncadd.s32 $0xFFFFFF80  }
0x29: {  	[tilespmem:s8], [sflag:$0x1] =	stream.indirect.gather [hbm4b:s3+s8], $0x10, s2, s8, $0xb8;
	[tilespmem:$0x880] =	vst v63  }
0x2a: {  	s10 =	sadd.s32 $0x1, s10;
	_ =	swait.ge [sflag:s9], $0x800  }
0x2b: {  	p0 =	sne.s32 s10, s4;
	[sflag:s9] =	ssyncset.done $0x0  }
.Ltmp1:
0x2c: {  	[sflag:s9] =	ssyncadd.s32 $0xFFFFF800;
	(pc) =	sbr.rel @p0 .LBB2_1-.Ltmp1, $4  }
0x2d: {  	[hbm4b:s11+s2] =	stream.linear.scatter [tilespmem:s8], [sflag:$0x2], $0x800, $0x38;
	[tilespmem:$0x880] =	vst v63  }
0x2e: {  	_ =	swait.ge [sflag:s7], $0x800  }
0x2f: {  	[sflag:s7] =	ssyncset.done $0x0  }
0x30: {  	[sflag:s7] =	ssyncadd.s32 $0xFFFFF800  }
0x31: {  	_ =	sfence.sel $0x180000  }
0x32: {  	[bflag:$0x0] =	sbarrier.arrive $0xFFFF  }
0x33: {  	p0 =	sne.s32 s1, $0x0;
	_ =	strace $0x9000004A  }
0x34: {  	s0 =	sadd.s32 @!p0 $0x100000, s0;
	[bflag:$0x2] =	sbarrier.arrive $0xFFFF  }
0x35: {  	[sflag:s0] =	ssyncadd.tile.s32 @!p0 $0x1;
	_ =	shalt  }
.Lfunc_end2:
_tile_overlayer_lowered:
.L_overlay_start_2:
0x36: {  	(tag) =	ssettag $0x2  }
0x37: {  	s0 =	rddreg [dreg:$0x0];
	s2 =	stileid.u32  }
0x38: {  	s1 =	rddreg [dreg:$0x1];
	p0 =	sne.s32 s2, $0x0  }
0x39: {  	s3 =	rddreg [dreg:$0x2];
	[bflag:$0x3] =	sbarrier.arrive $0xFFFF;
	s2 =	simm.s32 @!p0 $0x1C02  }
0x3a: {  	[timem:s3], [sflag:s2] =	dma.local @!p0 [hbm:s0], s1  }
0x3b: {  	s0 =	simm.s32 @!p0 $0x2  }
0x3c: {  	_ =	swait.ge @!p0 [sflag:s0], s1  }
0x3d: {  	s1 =	ssub.s32 @!p0 $0x0, s1;
	[sflag:s0] =	ssyncset.done @!p0 $0x0  }
0x3e: {  	[sflag:s0] =	ssyncadd.s32 @!p0 s1  }
0x3f: {  	[bflag:$0x3] =	sbarrier.arrive $0xFFFF  }
0x40: {  	_ =	shalt  }

// kernel: kernel.21.cloned.1.call-start
scs
__scs_entry_jumppad:
0x0: {  	(pc) =	sbr.rel $0x88, $3  }
0x1: {  	(tag) =	ssettag $0x0;
	lr =	simm.s32 $0x1  }
0x2: {  	[smem:$0x3F90] =	sst lr;
	_ =	strace $0xD0000000  }
0x3: {  	_ = 	snop  }
0x4: {  	_ = 	snop  }
0x5: {  	_ = 	snop  }
0x6: {  	_ = 	snop  }
0x7: {  	_ = 	snop  }
__scs_overlays_trampoline_lowered:
0x8: {  	[smem:$0x3F9F] =	sst s0  }
0x9: {  	[smem:$0x3FA0] =	sst s1  }
0xa: {  	[smem:$0x3FA1] =	sst s2  }
0xb: {  	[smem:$0x3FA2] =	sst s3  }
0xc: {  	[smem:$0x3FA3] =	sst s4  }
0xd: {  	[smem:$0x3FA4] =	sst s5  }
0xe: {  	[smem:$0x3FA5] =	sst s6  }
0xf: {  	[smem:$0x3FA6] =	sst s7  }
0x10: {  	[smem:$0x3FA7] =	sst s8  }
0x11: {  	[smem:$0x3FA8] =	sst s9;
	s0 =	simm.s32 @!p0 $0x0  }
0x12: {  	s1 =	sld [smem:$0x3F8E];
	s0 =	simm.s32 @p0 $0x1  }
0x13: {  	[smem:$0x3FA9] =	sst s0;
	s0 =	simm.s32 @!p1 $0x0  }
0x14: {  	s2 =	sld [smem:$0x3F8D];
	s0 =	simm.s32 @p1 $0x1  }
0x15: {  	[smem:$0x3FAA] =	sst s0;
	s0 =	simm.s32 @!p2 $0x0  }
0x16: {  	s3 =	sld [smem:$0x3FDB];
	s0 =	simm.s32 @p2 $0x1  }
0x17: {  	s4 =	simm.s32 $0x1BF5;
	[smem:$0x3FAC] =	sst s0  }
0x18: {  	s0 =	sld [smem:$0x3F8F];
	_ =	swait.ge [sflag:s4], $0x0  }
0x19: {  	s7 =	sld [smem:$0x3F90]  }
0x1a: {  	s8 =	sadd.s32 $0xFFFFE003, lr  }
0x1b: {  	s9 =	sadd.s32 $0xFFFFFEF7, lr;
	s5 =	simm.s32 $0xFFFFFFFF;
	p2 =	slt.u32 s8, $0xFFFFF086  }
0x1c: {  	p1 =	slt.u32 s9, $0xF7A;
	s5 =	simm.s32 @!p2 $0x0  }
0x1d: {  	s5 =	simm.s32 @p1 $0x1;
	p0 =	seq.s32 s7, s2  }
0x1e: {  	s7 =	smul.u32 @!p0 $0xF7A, s2;
	p2 =	seq.s32 @!p0 s5, $0x0  }
0x1f: {  	s9 =	smul.u32 $0xF7A, s1;
	s8 =	simm.s32 @!p0 $0x1BF5;
	p2 =	por !p2, p0  }
0x20: {  	[sflag:s8] =	ssyncset.s32 @!p0 $0xFFFFF086;
	s6 =	sadd.s32 @!p0 s3, s7;
	s7 =	simm.s32 @!p0 $0x108  }
0x21: {  	s3 =	sadd.s32 s3, s9;
	s6 =	sadd.s32 @!p0 $0x88, s6;
	s7 =	simm.s32 @p2 $0x1082  }
0x22: {  	[simem:s7], [sflag:s8] =	dma.local @!p0 [hbm:s6], $0xF7A  }
0x23: {  	s9 =	sor.u32 $0xD0000000, s2;
	s6 =	simm.s32 $0x108;
	_ =	swait.ge @!p0 [sflag:s8], $0x0  }
0x24: {  	s3 =	sadd.s32 $0x88, s3;
	s6 =	simm.s32 @!p1 $0x1082;
	[sflag:s4] =	ssyncset.s32 $0xFFFFF086  }
0x25: {  	[simem:s6], [sflag:s4] =	dma.local [hbm:s3], $0xF7A  }
0x26: {  	[smem:$0x3F90] =	sst s1;
	(tag) =	ssettag s2;
	_ =	strace s9  }
0x27: {  	s1 =	sld [smem:$0x3FA0]  }
0x28: {  	s2 =	sld [smem:$0x3FA1]  }
0x29: {  	s4 =	sld [smem:$0x3FA3]  }
0x2a: {  	p0 =	seq.s32 s5, $0x0;
	s5 =	sld [smem:$0x3FA4]  }
0x2b: {  	s6 =	sld [smem:$0x3FA5]  }
0x2c: {  	s7 =	sld [smem:$0x3FA6]  }
0x2d: {  	s3 =	simm.s32 $0x108;
	s8 =	sld [smem:$0x3FA7]  }
0x2e: {  	s3 =	simm.s32 @!p0 $0x1082;
	s9 =	sld [smem:$0x3FA8]  }
0x2f: {  	lr =	sadd.s32 s0, s3;
	s0 =	sld [smem:$0x3F9F]  }
0x30: {  	s3 =	sld [smem:$0x3FA2]  }
0x31: {  	[smem:$0x3FAB] =	sst s10  }
0x32: {  	s10 =	sld [smem:$0x3FA9];
	_ =	sdelay $0x3  }
0x33: {  	p0 =	seq.s32 s10, $0x1;
	s10 =	sld [smem:$0x3FAB];
	_ =	sdelay $0x3  }
0x34: {  	[smem:$0x3FAB] =	sst s10  }
0x35: {  	s10 =	sld [smem:$0x3FAA];
	_ =	sdelay $0x3  }
0x36: {  	p1 =	seq.s32 s10, $0x1;
	s10 =	sld [smem:$0x3FAB];
	_ =	sdelay $0x3  }
0x37: {  	[smem:$0x3FAB] =	sst s10  }
0x38: {  	s10 =	sld [smem:$0x3FAC]  }
0x39: {  	_ = 	snop;
	(pc) =	sbr.ind lr, $3  }
0x3a: {  	_ = 	snop  }
0x3b: {  	_ = 	snop  }
0x3c: {  	p2 =	seq.s32 s10, $0x1;
	s10 =	sld [smem:$0x3FAB]  }
0x3d: {  	_ =	shalt  }
0x3e: {  	_ =	shalt  }
0x3f: {  	_ =	shalt  }
0x40: {  	_ =	shalt  }
0x41: {  	_ =	shalt  }
0x42: {  	_ =	shalt  }
0x43: {  	_ =	shalt  }
0x44: {  	_ =	shalt  }
0x45: {  	_ =	shalt  }
0x46: {  	_ =	shalt  }
0x47: {  	_ =	shalt  }
0x48: {  	_ =	shalt  }
0x49: {  	_ =	shalt  }
0x4a: {  	_ =	shalt  }
0x4b: {  	_ =	shalt  }
0x4c: {  	_ =	shalt  }
0x4d: {  	_ =	shalt  }
0x4e: {  	_ =	shalt  }
0x4f: {  	_ =	shalt  }
0x50: {  	_ =	shalt  }
0x51: {  	_ =	shalt  }
0x52: {  	_ =	shalt  }
0x53: {  	_ =	shalt  }
0x54: {  	_ =	shalt  }
0x55: {  	_ =	shalt  }
0x56: {  	_ =	shalt  }
0x57: {  	_ =	shalt  }
0x58: {  	_ =	shalt  }
0x59: {  	_ =	shalt  }
0x5a: {  	_ =	shalt  }
0x5b: {  	_ =	shalt  }
0x5c: {  	_ =	shalt  }
0x5d: {  	_ =	shalt  }
0x5e: {  	_ =	shalt  }
0x5f: {  	_ =	shalt  }
0x60: {  	_ =	shalt  }
0x61: {  	_ =	shalt  }
0x62: {  	_ =	shalt  }
0x63: {  	_ =	shalt  }
0x64: {  	_ =	shalt  }
0x65: {  	_ =	shalt  }
0x66: {  	_ =	shalt  }
0x67: {  	_ =	shalt  }
0x68: {  	_ =	shalt  }
0x69: {  	_ =	shalt  }
0x6a: {  	_ =	shalt  }
0x6b: {  	_ =	shalt  }
0x6c: {  	_ =	shalt  }
0x6d: {  	_ =	shalt  }
0x6e: {  	_ =	shalt  }
0x6f: {  	_ =	shalt  }
0x70: {  	_ =	shalt  }
0x71: {  	_ =	shalt  }
0x72: {  	_ =	shalt  }
0x73: {  	_ =	shalt  }
0x74: {  	_ =	shalt  }
0x75: {  	_ =	shalt  }
0x76: {  	_ =	shalt  }
0x77: {  	_ =	shalt  }
0x78: {  	_ =	shalt  }
0x79: {  	_ =	shalt  }
0x7a: {  	_ =	shalt  }
0x7b: {  	_ =	shalt  }
0x7c: {  	_ =	shalt  }
0x7d: {  	_ =	shalt  }
0x7e: {  	_ =	shalt  }
0x7f: {  	_ =	shalt  }
0x80: {  	_ =	shalt  }
0x81: {  	_ =	shalt  }
0x82: {  	_ =	shalt  }
0x83: {  	_ =	shalt  }
0x84: {  	_ =	shalt  }
0x85: {  	_ =	shalt  }
0x86: {  	_ =	shalt  }
0x87: {  	_ =	shalt  }
.Lfunc_end0:
.L_simem_size_0:
called_computation.2_lowered:
.L_overlay_start_0:
0x88: {  	s2 =	sld [smem:$0x3FD9]  }
0x89: {  	s3 =	sld [smem:$0x3FFE];
	_ =	sdelay $0x1  }
0x8a: {  	s1 =	srdreg.scid  }
0x8b: {  	s0 =	sand.u32 $0x1, s1  }
0x8c: {  	s16 =	sshll.u32 s0, $0xA;
	s2 =	sadd.s32 s3, s2  }
0x8d: {  	s2 =	sadd.s32 s2, s16  }
0x8e: {  	[smem:$0x3FB7] =	sst s2  }
0x8f: {  	_ = 	snop  }
0x90: {  	(tm) =	ssettm $0x1  }
0x91: {  	s17 =	sld [smem:$0x3FFB];
	_ =	sdelay $0x3  }
0x92: {  	_ =	strace s17  }
0x93: {  	s2 =	sld [smem:$0x3FFC];
	_ =	sdelay $0x3  }
0x94: {  	_ =	strace s2  }
0x95: {  	s2 =	sld [smem:$0x3FFD];
	_ =	sdelay $0x3  }
0x96: {  	_ =	strace s2  }
0x97: {  	_ =	strace $0x8FFFFFFF  }
0x98: {  	s18 =	sld [smem:$0x3FDB];
	_ =	sdelay $0x1  }
0x99: {  	s19 =	simm.s32 $_scs_section_size  }
0x9a: {  	s4 =	simm.s32 $_size__tile_overlayer_lowered;
	s5 =	simm.s32 $_tile_overlayer_lowered  }
0x9b: {  	s22 =	simm.s32 $0x1BFF;
	s21 =	sshll.u32 s5, $0x1;
	s2 =	sadd.s32 s19, s18  }
0x9c: {  	s6 =	simm.s32 $0x0;
	s20 =	sshll.u32 s4, $0x1;
	s4 =	sadd.s32 s21, s2  }
0x9d: {  	[timem:s6], [sflag:s22] =	dma.local [hbm:s4], s20  }
0x9e: {  	_ =	swait.ge [sflag:s22], s20  }
0x9f: {  	s3 =	ssub.s32 $0x0, s20;
	[sflag:s22] =	ssyncset.done $0x0  }
0xa0: {  	[sflag:s22] =	ssyncadd.s32 s3;
	_ =	sdelay $0x1  }
0xa1: {  	s23 =	simm.s32 $0x1B8B  }
0xa2: {  	_ =	swait.ge [sflag:s23], $0x1  }
0xa3: {  	[sflag:s23] =	ssyncset.done $0x0  }
0xa4: {  	s25 =	simm.s32 $0x1B8E;
	s24 =	sld [smem:$0x3FFE];
	[sflag:s23] =	ssyncadd.s32 $0xFFFFFFFF  }
0xa5: {  	s26 =	simm.s32 $execute0_lowered;
	[smem:$0x3FD2] =	sst s25  }
0xa6: {  	s4 =	sshll.u32 s26, $0x1;
	_ =	strace $0x8000004C;
	[dreg:$0x1] =	wrdreg $0xFFFFFFFF  }
0xa7: {  	s28 =	simm.s32 $_size_execute0_lowered;
	s2 =	sadd.s32 s2, s4;
	[dreg:$0x0] =	wrdreg $0x0  }
0xa8: {  	s4 =	sshll.u32 s28, $0x1;
	[dreg:$0x2] =	wrdreg s2  }
0xa9: {  	[dreg:$0x3] =	wrdreg s4  }
0xaa: {  	[dreg:$0x4] =	wrdreg $0xC0  }
0xab: {  	_ =	task [dreg:s6], $0x5FFFF  }
0xac: {  	[dreg:$0x1] =	wrdreg $0xFFFFFFFF  }
0xad: {  	[dreg:$0x0] =	wrdreg $0x60  }
0xae: {  	[dreg:$0x2] =	wrdreg s24  }
0xaf: {  	[dreg:$0x3] =	wrdreg $0x9  }
0xb0: {  	_ =	task.clear_ibuf [dreg:s6], $0x4FFFF;
	_ =	strace $0x9000004C  }
0xb1: {  	s29 =	simm.s32 $0x9;
	_ =	strace $0x8000004E  }
0xb2: {  	_ =	swait.ge [sflag:s29], $0x1  }
0xb3: {  	[sflag:s29] =	ssyncadd.s32 $0xFFFFFFFF  }
0xb4: {  	_ =	strace $0x9000004E  }
0xb5: {  	_ =	sfence  }
0xb6: {  	s30 =	sld [smem:$0x0];
	_ =	sdelay $0x2  }
0xb7: {  	s31 =	sshll.u32 s1, $0xD;
	s1 =	sshrl.u32 s1, $0x2  }
0xb8: {  	s3 =	sand.u32 $0x4000, s31;
	s1 =	sadd.s32 s1, s30  }
0xb9: {  	s0 =	sor.u32 s3, s0;
	s1 =	sshll.u32 s1, $0x11  }
0xba: {  	s0 =	sor.u32 s1, s0  }
0xbb: {  	s0 =	sadd.s32 $0x8F2B, s0  }
0xbc: {  	[sflag:s0] =	ssyncadd.remote.s32 $0x1  }
0xbd: {  	_ =	sfence.sel $0xFFFF  }
0xbe: {  	[dreg:$0x0] =	wrdreg $0xFFFFFFFF;
	(pc) =	sbr.abs _section_cstart, $3  }
0xbf: {  	[dreg:$0x1] =	wrdreg $0xFFFFFFFF  }
0xc0: {  	_ =	task.clear_ibuf [dreg:s6], $0x2FFFF;
	_ =	strace $0x9FFFFFFF  }
0xc1: {  	(tm) =	ssettm $0x7FFFFFFF  }
tec
execute0_lowered:
.L_overlay_start_1:
0x0: {  	(tag) =	ssettag $0x1  }
0x1: {  	s4 =	rddreg [dreg:$0x0]  }
0x2: {  	s0 =	rddreg [dreg:$0x1];
	s2 =	simm.s32 $0x0;
	s3 =	srdreg.scid  }
0x3: {  	s1 =	stileid.u32;
	s10 =	simm.s32 $0x0;
	[smem:$0x7FF] =	sst s2  }
0x4: {  	s5 =	sand.u32 $0x1, s3;
	s6 =	sshll.u32 s1, $0xE;
	s3 =	sadd.s32 $0x3800, s4  }
0x5: {  	s8 =	sshll.u32 s1, $0x11;
	_ =	strace $0x8000004D;
	s7 =	sshll.u32 s5, $0xD  }
0x6: {  	s31 =	ssub.s32 $0x2, s5;
	s8 =	sadd.s32 s8, s4;
	s5 =	sshll.u32 s5, $0x10  }
0x7: {  	s6 =	sor.u32 s7, s6;
	s9 =	sshrl.u32 s31, $0x1;
	s5 =	sadd.s32 s5, s8  }
0x8: {  	s8 =	simm.s32 $0x80;
	s6 =	sshrl.u32 s6, $0x3;
	s7 =	ssub.s32 s31, s9  }
0x9: {  	s5 =	sadd.s32 $0x1B800, s5;
	s9 =	simm.s32 $0x1;
	s6 =	sadd.s32 s6, s4  }
0xa: {  	s4 =	smax.u32 s7, $0x1;
	s7 =	simm.s32 $0x2;
	s6 =	sadd.s32 $0x13800, s6  }
.LBB2_1:
0xb: {  	s11 =	sadd.s32 $0x0, s6  }
0xc: {  	[tilespmem:s2], [sflag:$0x2] =	stream.linear.gather [hbm4b:s11+s2], $0x80, $0x38;
	[tilespmem:$0x2080] =	vst v63  }
0xd: {  	_ =	swait.ge [sflag:s7], $0x80  }
0xe: {  	[sflag:s7] =	ssyncset.done $0x0  }
0xf: {  	[sflag:s7] =	ssyncadd.s32 $0xFFFFFF80  }
0x10: {  	[tilespmem:s8], [sflag:$0x1] =	stream.indirect.gather [hbm4b:s3+s8], $0x40, s2, s8, $0xb8;
	[tilespmem:$0x2080] =	vst v63  }
0x11: {  	_ =	swait.ge [sflag:s9], $0x2000  }
0x12: {  	[sflag:s9] =	ssyncset.done $0x0  }
0x13: {  	[sflag:s9] =	ssyncadd.s32 $0xFFFFE000  }
0x14: {  	[hbm4b:s5+s2] =	stream.linear.scatter [tilespmem:s8], [sflag:$0x2], $0x2000, $0x38;
	[tilespmem:$0x2080] =	vst v63  }
0x15: {  	s12 =	simm.s32 $0x10;
	_ =	swait.ge [sflag:s7], $0x2000  }
0x16: {  	s13 =	simm.s32 $0x20;
	s11 =	sadd.s32 $0x400, s5;
	[sflag:s7] =	ssyncset.done $0x0  }
.LBB2_2:
0x17: {  	s14 =	sadd.s32 s12, s6  }
0x18: {  	[sflag:s7] =	ssyncadd.s32 $0xFFFFE000;
	s12 =	smov.u32 s13;
	s15 =	sadd.s32 $0x10, s13  }
0x19: {  	[tilespmem:s2], [sflag:$0x2] =	stream.linear.gather [hbm4b:s14+s2], $0x80, $0x38;
	[tilespmem:$0x2080] =	vst v63  }
0x1a: {  	p0 =	sne.s32 s13, $0x3F0;
	_ =	swait.ge [sflag:s7], $0x80  }
0x1b: {  	[sflag:s7] =	ssyncset.done $0x0  }
0x1c: {  	[sflag:s7] =	ssyncadd.s32 $0xFFFFFF80  }
0x1d: {  	[tilespmem:s8], [sflag:$0x1] =	stream.indirect.gather [hbm4b:s3+s8], $0x40, s2, s8, $0xb8;
	[tilespmem:$0x2080] =	vst v63  }
0x1e: {  	_ =	swait.ge [sflag:s9], $0x2000  }
.Ltmp0:
0x1f: {  	[sflag:s9] =	ssyncset.done $0x0;
	(pc) =	sbr.rel @p0 .LBB2_2-.Ltmp0, $4  }
0x20: {  	[sflag:s9] =	ssyncadd.s32 $0xFFFFE000  }
0x21: {  	[hbm4b:s11+s2] =	stream.linear.scatter [tilespmem:s8], [sflag:$0x2], $0x2000, $0x38;
	[tilespmem:$0x2080] =	vst v63  }
0x22: {  	_ =	swait.ge [sflag:s7], $0x2000  }
0x23: {  	s13 =	smov.u32 s15;
	s11 =	sadd.s32 $0x400, s11;
	[sflag:s7] =	ssyncset.done $0x0  }
0x24: {  	s12 =	sadd.s32 s12, s6;
	[sflag:s7] =	ssyncadd.s32 $0xFFFFE000  }
0x25: {  	[tilespmem:s2], [sflag:$0x2] =	stream.linear.gather [hbm4b:s12+s2], $0x80, $0x38;
	[tilespmem:$0x2080] =	vst v63  }
0x26: {  	_ =	swait.ge [sflag:s7], $0x80  }
0x27: {  	[sflag:s7] =	ssyncset.done $0x0  }
0x28: {  	[sflag:s7] =	ssyncadd.s32 $0xFFFFFF80  }
0x29: {  	[tilespmem:s8], [sflag:$0x1] =	stream.indirect.gather [hbm4b:s3+s8], $0x40, s2, s8, $0xb8;
	[tilespmem:$0x2080] =	vst v63  }
0x2a: {  	s10 =	sadd.s32 $0x1, s10;
	_ =	swait.ge [sflag:s9], $0x2000  }
0x2b: {  	p0 =	sne.s32 s10, s4;
	[sflag:s9] =	ssyncset.done $0x0  }
.Ltmp1:
0x2c: {  	[sflag:s9] =	ssyncadd.s32 $0xFFFFE000;
	(pc) =	sbr.rel @p0 .LBB2_1-.Ltmp1, $4  }
0x2d: {  	[hbm4b:s11+s2] =	stream.linear.scatter [tilespmem:s8], [sflag:$0x2], $0x2000, $0x38;
	[tilespmem:$0x2080] =	vst v63  }
0x2e: {  	_ =	swait.ge [sflag:s7], $0x2000  }
0x2f: {  	[sflag:s7] =	ssyncset.done $0x0  }
0x30: {  	[sflag:s7] =	ssyncadd.s32 $0xFFFFE000  }
0x31: {  	_ =	sfence.sel $0x180000  }
0x32: {  	[bflag:$0x0] =	sbarrier.arrive $0xFFFF  }
0x33: {  	p0 =	sne.s32 s1, $0x0;
	_ =	strace $0x9000004D  }
0x34: {  	s0 =	sadd.s32 @!p0 $0x100000, s0;
	[bflag:$0x2] =	sbarrier.arrive $0xFFFF  }
0x35: {  	[sflag:s0] =	ssyncadd.tile.s32 @!p0 $0x1;
	_ =	shalt  }
.Lfunc_end2:
_tile_overlayer_lowered:
.L_overlay_start_2:
0x36: {  	(tag) =	ssettag $0x2  }
0x37: {  	s0 =	rddreg [dreg:$0x0];
	s2 =	stileid.u32  }
0x38: {  	s1 =	rddreg [dreg:$0x1];
	p0 =	sne.s32 s2, $0x0  }
0x39: {  	s3 =	rddreg [dreg:$0x2];
	[bflag:$0x3] =	sbarrier.arrive $0xFFFF;
	s2 =	simm.s32 @!p0 $0x1C02  }
0x3a: {  	[timem:s3], [sflag:s2] =	dma.local @!p0 [hbm:s0], s1  }
0x3b: {  	s0 =	simm.s32 @!p0 $0x2  }
0x3c: {  	_ =	swait.ge @!p0 [sflag:s0], s1  }
0x3d: {  	s1 =	ssub.s32 @!p0 $0x0, s1;
	[sflag:s0] =	ssyncset.done @!p0 $0x0  }
0x3e: {  	[sflag:s0] =	ssyncadd.s32 @!p0 s1  }
0x3f: {  	[bflag:$0x3] =	sbarrier.arrive $0xFFFF  }
0x40: {  	_ =	shalt  }

</sc_bundles>
